<compile_context>
chip_gen: v7x
topology: tpu7x:2x2x1
jax: 0.10.2.dev20260603
libtpu: 0.0.44.dev20260713+nightly
codegen_flags: <defaults>
</compile_context>

<pallas_src>
import jax
import jax.numpy as jnp
from jax import lax
from jax.experimental import pallas as pl
from jax.experimental.pallas import tpu as pltpu
from jax.experimental.pallas import tpu_sc as plsc

TW = 5
N_NEIGH = 16
NT = 250
TMIN = 0.0
TMAX = 1.0

NX = 4096
ROW_TILE = 256
PAD = 16
NPAD = NX + 2 * PAD

B_BATCH = 16
NC = 2
NS = 16
NW = NC * NS
NODES_PER_W = NX // NW
LANES = 16

_BIG_X = 3e37
_BIG_I = 1 << 22


def _rank_body(xr_ref, xc_ref, out_ref):
    i = pl.program_id(0)
    ki = lax.bitcast_convert_type(xc_ref[...], jnp.int32).reshape(ROW_TILE, 1)
    kj = lax.bitcast_convert_type(xr_ref[...], jnp.int32).reshape(1, NX)
    jj = lax.broadcasted_iota(jnp.int32, (ROW_TILE, NX), 1)
    ii = lax.broadcasted_iota(jnp.int32, (ROW_TILE, NX), 0) + i * ROW_TILE
    before = (kj - (jj < ii).astype(jnp.int32)) < ki
    out_ref[...] = jnp.sum(before.astype(jnp.int32), axis=1)


def _ranks_tc(x0):
    return pl.pallas_call(
        _rank_body,
        grid=(NX // ROW_TILE,),
        in_specs=[
            pl.BlockSpec((NX,), lambda i: (0,)),
            pl.BlockSpec((ROW_TILE,), lambda i: (i,)),
        ],
        out_specs=pl.BlockSpec((ROW_TILE,), lambda i: (i,)),
        out_shape=jax.ShapeDtypeStruct((NX,), jnp.int32),
    )(x0, x0)


def _sc_knn_body(x_hbm, r_hbm, out_hbm, vx, vr, sx, si, vout, vsrc_all, vdst_all):
    cid = lax.axis_index("c")
    sid = lax.axis_index("s")
    wid = cid * NS + sid
    epw = NODES_PER_W * N_NEIGH

    pltpu.sync_copy(x_hbm, vx)
    pltpu.sync_copy(r_hbm, vr)

    big_x = jnp.full((LANES,), _BIG_X, jnp.float32)
    big_i = jnp.full((LANES,), _BIG_I, jnp.int32)
    sx[pl.ds(0, LANES)] = big_x
    sx[pl.ds(NX + PAD, LANES)] = big_x
    si[pl.ds(0, LANES)] = big_i
    si[pl.ds(NX + PAD, LANES)] = big_i

    iota = lax.iota(jnp.int32, LANES)

    def scat(cidx, carry):
        base = cidx * LANES
        rv = vr[pl.ds(base, LANES)] + PAD
        plsc.store_scatter(sx, [rv], vx[pl.ds(base, LANES)])
        plsc.store_scatter(si, [rv], iota + base)
        return carry

    lax.fori_loop(0, NX // LANES, scat, 0)

    def node_vec(v, carry):
        base = wid * NODES_PER_W + v * LANES
        r = vr[pl.ds(base, LANES)] + PAD
        xi = vx[pl.ds(base, LANES)]
        flat0 = (iota + v * LANES) * N_NEIGH
        lp = jnp.ones((LANES,), jnp.int32)
        rp = jnp.ones((LANES,), jnp.int32)
        for step in range(N_NEIGH):
            gl = r - lp
            gr = r + rp
            xl = plsc.load_gather(sx, [gl])
            il = plsc.load_gather(si, [gl])
            xr_ = plsc.load_gather(sx, [gr])
            ir = plsc.load_gather(si, [gr])
            dl = jnp.abs(xi - xl)
            dr = jnp.abs(xi - xr_)
            take_l = (dl < dr) | ((dl == dr) & (il < ir))
            sel = jnp.where(take_l, il, ir)
            plsc.store_scatter(vout, [flat0 + step], sel)
            inc = take_l.astype(jnp.int32)
            lp = lp + inc
            rp = rp + (1 - inc)
        return carry

    lax.fori_loop(0, NODES_PER_W // LANES, node_vec, 0)

    def expand_b(b, carry):
        boff = b * NX

        def expand_v(cv, carry2):
            sl = pl.ds(cv * LANES, LANES)
            vsrc_all[b, sl] = vout[sl] + boff
            vdst_all[b, sl] = jnp.zeros((LANES,), jnp.int32) + (
                wid * NODES_PER_W + cv + boff)
            return carry2

        lax.fori_loop(0, epw // LANES, expand_v, 0)
        return carry

    lax.fori_loop(0, B_BATCH, expand_b, 0)

    pltpu.sync_copy(vsrc_all, out_hbm.at[0, :, pl.ds(wid * epw, epw)])
    pltpu.sync_copy(vdst_all, out_hbm.at[1, :, pl.ds(wid * epw, epw)])


def _knn_sc(x0, ranks):
    mesh = plsc.VectorSubcoreMesh(
        core_axis_name="c", subcore_axis_name="s",
        num_cores=NC, num_subcores=NS,
    )
    epw = NODES_PER_W * N_NEIGH
    fn = pl.kernel(
        _sc_knn_body,
        out_type=jax.ShapeDtypeStruct((2, B_BATCH, NX * N_NEIGH), jnp.int32),
        mesh=mesh,
        compiler_params=pltpu.CompilerParams(needs_layout_passes=False),
        scratch_types=[
            pltpu.VMEM((NX,), jnp.float32),
            pltpu.VMEM((NX,), jnp.int32),
            pltpu.VMEM((NPAD,), jnp.float32),
            pltpu.VMEM((NPAD,), jnp.int32),
            pltpu.VMEM((epw,), jnp.int32),
            pltpu.VMEM((B_BATCH, epw), jnp.int32),
            pltpu.VMEM((B_BATCH, epw), jnp.int32),
        ],
    )
    return fn(x0, ranks)


def kernel(data, labels, x, steps, bc_left, bc_right, c):
    B, tw, nx = data.shape
    x0 = x[0]

    ranks = _ranks_tc(x0)
    edge3 = _knn_sc(x0, ranks)

    u = jnp.transpose(data, (0, 2, 1)).reshape(B * nx, tw)
    y = jnp.transpose(labels, (0, 2, 1)).reshape(B * nx, tw)

    x_pos = jnp.broadcast_to(x0[None, :], (B, nx)).reshape(B * nx)
    t = jnp.linspace(TMIN, TMAX, NT)
    t_sel = t[steps]
    t_pos = jnp.broadcast_to(t_sel[:, None], (B, nx)).reshape(B * nx)
    batch = lax.broadcasted_iota(jnp.int32, (B, nx), 0).reshape(B * nx)

    edge_index = edge3.reshape(2, B * nx * N_NEIGH)

    pos = jnp.concatenate([t_pos[:, None], x_pos[:, None]], 1)
    bc_l = jnp.broadcast_to(bc_left[:, None], (B, nx)).reshape(B * nx, 1)
    bc_r = jnp.broadcast_to(bc_right[:, None], (B, nx)).reshape(B * nx, 1)
    c_n = jnp.broadcast_to(c[:, None], (B, nx)).reshape(B * nx, 1)
    return (u, edge_index, y, pos, batch, bc_l, bc_r, c_n)

# --- scband reference (transcript-rebuilt; emitter-appended) ---
"""Pipeline reference for scband-graph-creator-37881611550987 (READ-ONLY COPY).

The authoritative reference and input builder live on the scoring server;
editing this copy changes nothing except your own understanding.
"""

import jax, jax.numpy as jnp
import numpy as np

TW = 5
N_NEIGH = 16
NT = 250
TMIN = 0.0
TMAX = 1.0


def setup_inputs(seed: int = 0) -> dict:
    key = jax.random.key(seed)
    k1, k2, k3, k4, k5, k6, k7 = jax.random.split(key, 7)
    B, tw, nx = 16, TW, 4096
    data = jax.random.normal(k1, (B, tw, nx), dtype=jnp.float32)
    labels = jax.random.normal(k2, (B, tw, nx), dtype=jnp.float32)
    x = jax.random.uniform(k3, (B, nx), dtype=jnp.float32)
    steps = jax.random.randint(k4, (B,), 0, 245)
    bc_left = jax.random.uniform(k5, (B,), dtype=jnp.float32)
    bc_right = jax.random.uniform(k6, (B,), dtype=jnp.float32)
    c = jax.random.uniform(k7, (B,), dtype=jnp.float32)
    return {"data": data, "labels": labels, "x": x, "steps": steps,
            "bc_left": bc_left, "bc_right": bc_right, "c": c}


def _knn_edges(pos, k):
    # knn_graph(x_pos, k=n, loop=False) in 1D, flow source_to_target
    nx = pos.shape[0]
    dist = jnp.abs(pos[:, None] - pos[None, :])
    dist = dist + jnp.eye(nx, dtype=pos.dtype) * 1e9  # exclude self-loops
    _, idx = jax.lax.top_k(-dist, k)  # [nx, k] nearest neighbor indices
    dst = jnp.repeat(jnp.arange(nx), k)
    src = idx.reshape(-1)
    return src, dst


def reference(data, labels, x, steps, bc_left, bc_right, c):
    B, tw, nx = data.shape
    # node features: stack time window per spatial point
    u = jnp.transpose(data, (0, 2, 1)).reshape(B * nx, tw)
    y = jnp.transpose(labels, (0, 2, 1)).reshape(B * nx, tw)
    # positions (x[0] reused for every batch entry, as in original)
    x_pos = jnp.tile(x[0], B)
    t = jnp.linspace(TMIN, TMAX, NT)
    t_pos = jnp.repeat(t[steps], nx)
    batch = jnp.repeat(jnp.arange(B), nx)
    # kNN graph per batch entry; same coords per batch, offset node ids
    src0, dst0 = _knn_edges(x[0], N_NEIGH)
    offs = (jnp.arange(B) * nx)[:, None]
    src = (src0[None, :] + offs).reshape(-1)
    dst = (dst0[None, :] + offs).reshape(-1)
    edge_index = jnp.stack([src, dst], 0)
    pos = jnp.concatenate([t_pos[:, None], x_pos[:, None]], 1)
    # WE-branch per-node equation parameters
    bc_l = bc_left[batch][:, None]
    bc_r = bc_right[batch][:, None]
    c_n = c[batch][:, None]
    return (u, edge_index, y, pos, batch, bc_l, bc_r, c_n)

if __name__ == "__main__":
    import jax
    _d = setup_inputs()
    print(jax.jit(kernel)(*tuple(_d.values())))

</pallas_src>

<mosaic_0001>
#map = affine_map<(d0, d1) -> (0)>
#map1 = affine_map<(d0, d1) -> (0, 0, 0)>
module attributes {stable_mosaic.version = 14 : i64} {
  func.func @_sc_knn_body(%arg0: i32, %arg1: i32, %arg2: memref<4096xf32, #tpu.memory_space<hbm>>, %arg3: memref<4096xi32, #tpu.memory_space<hbm>>, %arg4: memref<2x16x65536xi32, #tpu.memory_space<hbm>>, %arg5: memref<4096xf32, #tpu.memory_space<vmem>>, %arg6: memref<4096xi32, #tpu.memory_space<vmem>>, %arg7: memref<4128xf32, #tpu.memory_space<vmem>>, %arg8: memref<4128xi32, #tpu.memory_space<vmem>>, %arg9: memref<2048xi32, #tpu.memory_space<vmem>>, %arg10: memref<16x2048xi32, #tpu.memory_space<vmem>>, %arg11: memref<16x2048xi32, #tpu.memory_space<vmem>>) attributes {dimension_semantics = [#tpu.dimension_semantics<core_parallel>, #tpu.dimension_semantics<subcore_parallel>], iteration_bounds = array<i64: 2, 16>, scalar_prefetch = 0 : i64, scratch_operands = 7 : i64, tpu.core_type = #tpu.core_type<sc_vector_subcore>, window_params = [{transform_indices = #map}, {transform_indices = #map}, {transform_indices = #map1}]} {
    %mul3A = arith.constant 16 : i32
    %mul3A_0 = arith.muli %arg0, %mul3A : i32
    %add3A = arith.addi %mul3A_0, %arg1 : i32
    "tpu.region"() ({
      %run_scoped3A_33 = tpu.sem_alloc : memref<!tpu.dma_semaphore, #tpu.memory_space<semaphore_mem>>
      tpu.enqueue_dma source(%arg2 : memref<4096xf32, #tpu.memory_space<hbm>>) target(%arg5 : memref<4096xf32, #tpu.memory_space<vmem>>) target_semaphore(%run_scoped3A_33 : memref<!tpu.dma_semaphore, #tpu.memory_space<semaphore_mem>>)
      tpu.wait_dma2 semaphore(%run_scoped3A_33 : memref<!tpu.dma_semaphore, #tpu.memory_space<semaphore_mem>>) src(%arg2 : memref<4096xf32, #tpu.memory_space<hbm>>) dst(%arg5 : memref<4096xf32, #tpu.memory_space<vmem>>)
      tpu.yield
    }) : () -> ()
    "tpu.region"() ({
      %run_scoped3A_33 = tpu.sem_alloc : memref<!tpu.dma_semaphore, #tpu.memory_space<semaphore_mem>>
      tpu.enqueue_dma source(%arg3 : memref<4096xi32, #tpu.memory_space<hbm>>) target(%arg6 : memref<4096xi32, #tpu.memory_space<vmem>>) target_semaphore(%run_scoped3A_33 : memref<!tpu.dma_semaphore, #tpu.memory_space<semaphore_mem>>)
      tpu.wait_dma2 semaphore(%run_scoped3A_33 : memref<!tpu.dma_semaphore, #tpu.memory_space<semaphore_mem>>) src(%arg3 : memref<4096xi32, #tpu.memory_space<hbm>>) dst(%arg6 : memref<4096xi32, #tpu.memory_space<vmem>>)
      tpu.yield
    }) : () -> ()
    %broadcast_in_dim3A = arith.constant 3.000000e+37 : f32
    %broadcast_in_dim3A_1 = vector.broadcast %broadcast_in_dim3A : f32 to vector<16xf32>
    %broadcast_in_dim3A_2 = arith.constant 4194304 : i32
    %broadcast_in_dim3A_3 = vector.broadcast %broadcast_in_dim3A_2 : i32 to vector<16xi32>
    %swap3A = arith.constant 0 : index
    %swap3A_4 = tpu.vector_load %arg7[%swap3A] {strides = array<i32>} : memref<4128xf32, #tpu.memory_space<vmem>>, vector<16xf32>,
    tpu.vector_store %arg7[%swap3A], %broadcast_in_dim3A_1 {strides = array<i32>} : memref<4128xf32, #tpu.memory_space<vmem>>, vector<16xf32>,
    %swap3A_5 = arith.constant 4112 : index
    %swap3A_6 = tpu.vector_load %arg7[%swap3A_5] {strides = array<i32>} : memref<4128xf32, #tpu.memory_space<vmem>>, vector<16xf32>,
    tpu.vector_store %arg7[%swap3A_5], %broadcast_in_dim3A_1 {strides = array<i32>} : memref<4128xf32, #tpu.memory_space<vmem>>, vector<16xf32>,
    %swap3A_7 = arith.constant 0 : index
    %swap3A_8 = tpu.vector_load %arg8[%swap3A_7] {strides = array<i32>} : memref<4128xi32, #tpu.memory_space<vmem>>, vector<16xi32>,
    tpu.vector_store %arg8[%swap3A_7], %broadcast_in_dim3A_3 {strides = array<i32>} : memref<4128xi32, #tpu.memory_space<vmem>>, vector<16xi32>,
    %swap3A_9 = arith.constant 4112 : index
    %swap3A_10 = tpu.vector_load %arg8[%swap3A_9] {strides = array<i32>} : memref<4128xi32, #tpu.memory_space<vmem>>, vector<16xi32>,
    tpu.vector_store %arg8[%swap3A_9], %broadcast_in_dim3A_3 {strides = array<i32>} : memref<4128xi32, #tpu.memory_space<vmem>>, vector<16xi32>,
    %iota3A = tpu.iota {dimensions = array<i32: 0>} : vector<16xi32>
    %scan3A = arith.constant 0 : i32
    %scan3A_11 = arith.constant 0 : i32
    %scan3A_12 = arith.constant 256 : i32
    %scan3A_13 = arith.addi %scan3A_11, %scan3A_12 : i32
    %scan3A_14 = arith.constant 1 : i32
    scf.for %scan3A_33 = %scan3A_11 to %scan3A_13 step %scan3A_14  : i32 {
      %mul3A_34 = arith.constant 16 : i32
      %mul3A_35 = arith.muli %scan3A_33, %mul3A_34 : i32
      %get3A = arith.index_cast %mul3A_35 : i32 to index
      %get3A_36 = tpu.vector_load %arg6[%get3A] {strides = array<i32>} : memref<4096xi32, #tpu.memory_space<vmem>>, vector<16xi32>,
      %add3A_37 = arith.constant 16 : i32
      %add3A_38 = vector.broadcast %add3A_37 : i32 to vector<16xi32>
      %add3A_39 = arith.addi %get3A_36, %add3A_38 : vector<16xi32>
      %get3A_40 = arith.index_cast %mul3A_35 : i32 to index
      %get3A_41 = tpu.vector_load %arg5[%get3A_40] {strides = array<i32>} : memref<4096xf32, #tpu.memory_space<vmem>>, vector<16xf32>,
      tpu.vector_store_idx %arg7[%add3A_39], %get3A_41 : memref<4128xf32, #tpu.memory_space<vmem>>[vector<16xi32>], vector<16xf32>,
      %add3A_42 = vector.broadcast %mul3A_35 : i32 to vector<16xi32>
      %add3A_43 = arith.addi %iota3A, %add3A_42 : vector<16xi32>
      tpu.vector_store_idx %arg8[%add3A_39], %add3A_43 : memref<4128xi32, #tpu.memory_space<vmem>>[vector<16xi32>], vector<16xi32>,
    }
    %scan3A_15 = arith.constant 256 : i32
    %scan3A_16 = arith.constant 0 : i32
    %scan3A_17 = arith.constant 0 : i32
    %scan3A_18 = arith.constant 8 : i32
    %scan3A_19 = arith.addi %scan3A_17, %scan3A_18 : i32
    %scan3A_20 = arith.constant 1 : i32
    scf.for %scan3A_33 = %scan3A_17 to %scan3A_19 step %scan3A_20  : i32 {
      %mul3A_34 = arith.constant 128 : i32
      %mul3A_35 = arith.muli %add3A, %mul3A_34 : i32
      %mul3A_36 = arith.constant 16 : i32
      %mul3A_37 = arith.muli %scan3A_33, %mul3A_36 : i32
      %add3A_38 = arith.addi %mul3A_35, %mul3A_37 : i32
      %get3A = arith.index_cast %add3A_38 : i32 to index
      %get3A_39 = tpu.vector_load %arg6[%get3A] {strides = array<i32>} : memref<4096xi32, #tpu.memory_space<vmem>>, vector<16xi32>,
      %add3A_40 = arith.constant 16 : i32
      %add3A_41 = vector.broadcast %add3A_40 : i32 to vector<16xi32>
      %add3A_42 = arith.addi %get3A_39, %add3A_41 : vector<16xi32>
      %get3A_43 = arith.index_cast %add3A_38 : i32 to index
      %get3A_44 = tpu.vector_load %arg5[%get3A_43] {strides = array<i32>} : memref<4096xf32, #tpu.memory_space<vmem>>, vector<16xf32>,
      %mul3A_45 = arith.constant 16 : i32
      %mul3A_46 = arith.muli %scan3A_33, %mul3A_45 : i32
      %add3A_47 = vector.broadcast %mul3A_46 : i32 to vector<16xi32>
      %add3A_48 = arith.addi %iota3A, %add3A_47 : vector<16xi32>
      %mul3A_49 = arith.constant 16 : i32
      %mul3A_50 = vector.broadcast %mul3A_49 : i32 to vector<16xi32>
      %mul3A_51 = arith.muli %add3A_48, %mul3A_50 : vector<16xi32>
      %broadcast_in_dim3A_52 = arith.constant 1 : i32
      %broadcast_in_dim3A_53 = vector.broadcast %broadcast_in_dim3A_52 : i32 to vector<16xi32>
      %broadcast_in_dim3A_54 = arith.constant 1 : i32
      %broadcast_in_dim3A_55 = vector.broadcast %broadcast_in_dim3A_54 : i32 to vector<16xi32>
      %sub3A = arith.subi %add3A_42, %broadcast_in_dim3A_53 : vector<16xi32>
      %add3A_56 = arith.addi %add3A_42, %broadcast_in_dim3A_55 : vector<16xi32>
      %gather3A = tpu.vector_load_idx %arg7[%sub3A] : memref<4128xf32, #tpu.memory_space<vmem>>[vector<16xi32>], vector<16xf32>,
      %gather3A_57 = tpu.vector_load_idx %arg8[%sub3A] : memref<4128xi32, #tpu.memory_space<vmem>>[vector<16xi32>], vector<16xi32>,
      %gather3A_58 = tpu.vector_load_idx %arg7[%add3A_56] : memref<4128xf32, #tpu.memory_space<vmem>>[vector<16xi32>], vector<16xf32>,
      %gather3A_59 = tpu.vector_load_idx %arg8[%add3A_56] : memref<4128xi32, #tpu.memory_space<vmem>>[vector<16xi32>], vector<16xi32>,
      %sub3A_60 = arith.subf %get3A_44, %gather3A : vector<16xf32>
      %abs3A = math.absf %sub3A_60 : vector<16xf32>
      %sub3A_61 = arith.subf %get3A_44, %gather3A_58 : vector<16xf32>
      %abs3A_62 = math.absf %sub3A_61 : vector<16xf32>
      %lt3A = arith.cmpf olt, %abs3A, %abs3A_62 : vector<16xf32>
      %eq3A = arith.cmpf oeq, %abs3A, %abs3A_62 : vector<16xf32>
      %lt3A_63 = arith.cmpi slt, %gather3A_57, %gather3A_59 : vector<16xi32>
      %and3A = arith.andi %eq3A, %lt3A_63 : vector<16xi1>
      %or3A = arith.ori %lt3A, %and3A : vector<16xi1>
      %select_n3A = arith.select %or3A, %gather3A_57, %gather3A_59 : vector<16xi1>, vector<16xi32>
      %add3A_64 = arith.constant 0 : i32
      %add3A_65 = vector.broadcast %add3A_64 : i32 to vector<16xi32>
      %add3A_66 = arith.addi %mul3A_51, %add3A_65 : vector<16xi32>
      tpu.vector_store_idx %arg9[%add3A_66], %select_n3A : memref<2048xi32, #tpu.memory_space<vmem>>[vector<16xi32>], vector<16xi32>,
      %convert_element_type3A = arith.extui %or3A : vector<16xi1> to vector<16xi32>
      %add3A_67 = arith.addi %broadcast_in_dim3A_53, %convert_element_type3A : vector<16xi32>
      %sub3A_68 = arith.constant 1 : i32
      %sub3A_69 = vector.broadcast %sub3A_68 : i32 to vector<16xi32>
      %sub3A_70 = arith.subi %sub3A_69, %convert_element_type3A : vector<16xi32>
      %add3A_71 = arith.addi %broadcast_in_dim3A_55, %sub3A_70 : vector<16xi32>
      %sub3A_72 = arith.subi %add3A_42, %add3A_67 : vector<16xi32>
      %add3A_73 = arith.addi %add3A_42, %add3A_71 : vector<16xi32>
      %gather3A_74 = tpu.vector_load_idx %arg7[%sub3A_72] : memref<4128xf32, #tpu.memory_space<vmem>>[vector<16xi32>], vector<16xf32>,
      %gather3A_75 = tpu.vector_load_idx %arg8[%sub3A_72] : memref<4128xi32, #tpu.memory_space<vmem>>[vector<16xi32>], vector<16xi32>,
      %gather3A_76 = tpu.vector_load_idx %arg7[%add3A_73] : memref<4128xf32, #tpu.memory_space<vmem>>[vector<16xi32>], vector<16xf32>,
      %gather3A_77 = tpu.vector_load_idx %arg8[%add3A_73] : memref<4128xi32, #tpu.memory_space<vmem>>[vector<16xi32>], vector<16xi32>,
      %sub3A_78 = arith.subf %get3A_44, %gather3A_74 : vector<16xf32>
      %abs3A_79 = math.absf %sub3A_78 : vector<16xf32>
      %sub3A_80 = arith.subf %get3A_44, %gather3A_76 : vector<16xf32>
      %abs3A_81 = math.absf %sub3A_80 : vector<16xf32>
      %lt3A_82 = arith.cmpf olt, %abs3A_79, %abs3A_81 : vector<16xf32>
      %eq3A_83 = arith.cmpf oeq, %abs3A_79, %abs3A_81 : vector<16xf32>
      %lt3A_84 = arith.cmpi slt, %gather3A_75, %gather3A_77 : vector<16xi32>
      %and3A_85 = arith.andi %eq3A_83, %lt3A_84 : vector<16xi1>
      %or3A_86 = arith.ori %lt3A_82, %and3A_85 : vector<16xi1>
      %select_n3A_87 = arith.select %or3A_86, %gather3A_75, %gather3A_77 : vector<16xi1>, vector<16xi32>
      %add3A_88 = arith.constant 1 : i32
      %add3A_89 = vector.broadcast %add3A_88 : i32 to vector<16xi32>
      %add3A_90 = arith.addi %mul3A_51, %add3A_89 : vector<16xi32>
      tpu.vector_store_idx %arg9[%add3A_90], %select_n3A_87 : memref<2048xi32, #tpu.memory_space<vmem>>[vector<16xi32>], vector<16xi32>,
      %convert_element_type3A_91 = arith.extui %or3A_86 : vector<16xi1> to vector<16xi32>
      %add3A_92 = arith.addi %add3A_67, %convert_element_type3A_91 : vector<16xi32>
      %sub3A_93 = arith.constant 1 : i32
      %sub3A_94 = vector.broadcast %sub3A_93 : i32 to vector<16xi32>
      %sub3A_95 = arith.subi %sub3A_94, %convert_element_type3A_91 : vector<16xi32>
      %add3A_96 = arith.addi %add3A_71, %sub3A_95 : vector<16xi32>
      %sub3A_97 = arith.subi %add3A_42, %add3A_92 : vector<16xi32>
      %add3A_98 = arith.addi %add3A_42, %add3A_96 : vector<16xi32>
      %gather3A_99 = tpu.vector_load_idx %arg7[%sub3A_97] : memref<4128xf32, #tpu.memory_space<vmem>>[vector<16xi32>], vector<16xf32>,
      %gather3A_100 = tpu.vector_load_idx %arg8[%sub3A_97] : memref<4128xi32, #tpu.memory_space<vmem>>[vector<16xi32>], vector<16xi32>,
      %gather3A_101 = tpu.vector_load_idx %arg7[%add3A_98] : memref<4128xf32, #tpu.memory_space<vmem>>[vector<16xi32>], vector<16xf32>,
      %gather3A_102 = tpu.vector_load_idx %arg8[%add3A_98] : memref<4128xi32, #tpu.memory_space<vmem>>[vector<16xi32>], vector<16xi32>,
      %sub3A_103 = arith.subf %get3A_44, %gather3A_99 : vector<16xf32>
      %abs3A_104 = math.absf %sub3A_103 : vector<16xf32>
      %sub3A_105 = arith.subf %get3A_44, %gather3A_101 : vector<16xf32>
      %abs3A_106 = math.absf %sub3A_105 : vector<16xf32>
      %lt3A_107 = arith.cmpf olt, %abs3A_104, %abs3A_106 : vector<16xf32>
      %eq3A_108 = arith.cmpf oeq, %abs3A_104, %abs3A_106 : vector<16xf32>
      %lt3A_109 = arith.cmpi slt, %gather3A_100, %gather3A_102 : vector<16xi32>
      %and3A_110 = arith.andi %eq3A_108, %lt3A_109 : vector<16xi1>
      %or3A_111 = arith.ori %lt3A_107, %and3A_110 : vector<16xi1>
      %select_n3A_112 = arith.select %or3A_111, %gather3A_100, %gather3A_102 : vector<16xi1>, vector<16xi32>
      %add3A_113 = arith.constant 2 : i32
      %add3A_114 = vector.broadcast %add3A_113 : i32 to vector<16xi32>
      %add3A_115 = arith.addi %mul3A_51, %add3A_114 : vector<16xi32>
      tpu.vector_store_idx %arg9[%add3A_115], %select_n3A_112 : memref<2048xi32, #tpu.memory_space<vmem>>[vector<16xi32>], vector<16xi32>,
      %convert_element_type3A_116 = arith.extui %or3A_111 : vector<16xi1> to vector<16xi32>
      %add3A_117 = arith.addi %add3A_92, %convert_element_type3A_116 : vector<16xi32>
      %sub3A_118 = arith.constant 1 : i32
      %sub3A_119 = vector.broadcast %sub3A_118 : i32 to vector<16xi32>
      %sub3A_120 = arith.subi %sub3A_119, %convert_element_type3A_116 : vector<16xi32>
      %add3A_121 = arith.addi %add3A_96, %sub3A_120 : vector<16xi32>
      %sub3A_122 = arith.subi %add3A_42, %add3A_117 : vector<16xi32>
      %add3A_123 = arith.addi %add3A_42, %add3A_121 : vector<16xi32>
      %gather3A_124 = tpu.vector_load_idx %arg7[%sub3A_122] : memref<4128xf32, #tpu.memory_space<vmem>>[vector<16xi32>], vector<16xf32>,
      %gather3A_125 = tpu.vector_load_idx %arg8[%sub3A_122] : memref<4128xi32, #tpu.memory_space<vmem>>[vector<16xi32>], vector<16xi32>,
      %gather3A_126 = tpu.vector_load_idx %arg7[%add3A_123] : memref<4128xf32, #tpu.memory_space<vmem>>[vector<16xi32>], vector<16xf32>,
      %gather3A_127 = tpu.vector_load_idx %arg8[%add3A_123] : memref<4128xi32, #tpu.memory_space<vmem>>[vector<16xi32>], vector<16xi32>,
      %sub3A_128 = arith.subf %get3A_44, %gather3A_124 : vector<16xf32>
      %abs3A_129 = math.absf %sub3A_128 : vector<16xf32>
      %sub3A_130 = arith.subf %get3A_44, %gather3A_126 : vector<16xf32>
      %abs3A_131 = math.absf %sub3A_130 : vector<16xf32>
      %lt3A_132 = arith.cmpf olt, %abs3A_129, %abs3A_131 : vector<16xf32>
      %eq3A_133 = arith.cmpf oeq, %abs3A_129, %abs3A_131 : vector<16xf32>
      %lt3A_134 = arith.cmpi slt, %gather3A_125, %gather3A_127 : vector<16xi32>
      %and3A_135 = arith.andi %eq3A_133, %lt3A_134 : vector<16xi1>
      %or3A_136 = arith.ori %lt3A_132, %and3A_135 : vector<16xi1>
      %select_n3A_137 = arith.select %or3A_136, %gather3A_125, %gather3A_127 : vector<16xi1>, vector<16xi32>
      %add3A_138 = arith.constant 3 : i32
      %add3A_139 = vector.broadcast %add3A_138 : i32 to vector<16xi32>
      %add3A_140 = arith.addi %mul3A_51, %add3A_139 : vector<16xi32>
      tpu.vector_store_idx %arg9[%add3A_140], %select_n3A_137 : memref<2048xi32, #tpu.memory_space<vmem>>[vector<16xi32>], vector<16xi32>,
      %convert_element_type3A_141 = arith.extui %or3A_136 : vector<16xi1> to vector<16xi32>
      %add3A_142 = arith.addi %add3A_117, %convert_element_type3A_141 : vector<16xi32>
      %sub3A_143 = arith.constant 1 : i32
      %sub3A_144 = vector.broadcast %sub3A_143 : i32 to vector<16xi32>
      %sub3A_145 = arith.subi %sub3A_144, %convert_element_type3A_141 : vector<16xi32>
      %add3A_146 = arith.addi %add3A_121, %sub3A_145 : vector<16xi32>
      %sub3A_147 = arith.subi %add3A_42, %add3A_142 : vector<16xi32>
      %add3A_148 = arith.addi %add3A_42, %add3A_146 : vector<16xi32>
      %gather3A_149 = tpu.vector_load_idx %arg7[%sub3A_147] : memref<4128xf32, #tpu.memory_space<vmem>>[vector<16xi32>], vector<16xf32>,
      %gather3A_150 = tpu.vector_load_idx %arg8[%sub3A_147] : memref<4128xi32, #tpu.memory_space<vmem>>[vector<16xi32>], vector<16xi32>,
      %gather3A_151 = tpu.vector_load_idx %arg7[%add3A_148] : memref<4128xf32, #tpu.memory_space<vmem>>[vector<16xi32>], vector<16xf32>,
      %gather3A_152 = tpu.vector_load_idx %arg8[%add3A_148] : memref<4128xi32, #tpu.memory_space<vmem>>[vector<16xi32>], vector<16xi32>,
      %sub3A_153 = arith.subf %get3A_44, %gather3A_149 : vector<16xf32>
      %abs3A_154 = math.absf %sub3A_153 : vector<16xf32>
      %sub3A_155 = arith.subf %get3A_44, %gather3A_151 : vector<16xf32>
      %abs3A_156 = math.absf %sub3A_155 : vector<16xf32>
      %lt3A_157 = arith.cmpf olt, %abs3A_154, %abs3A_156 : vector<16xf32>
      %eq3A_158 = arith.cmpf oeq, %abs3A_154, %abs3A_156 : vector<16xf32>
      %lt3A_159 = arith.cmpi slt, %gather3A_150, %gather3A_152 : vector<16xi32>
      %and3A_160 = arith.andi %eq3A_158, %lt3A_159 : vector<16xi1>
      %or3A_161 = arith.ori %lt3A_157, %and3A_160 : vector<16xi1>
      %select_n3A_162 = arith.select %or3A_161, %gather3A_150, %gather3A_152 : vector<16xi1>, vector<16xi32>
      %add3A_163 = arith.constant 4 : i32
      %add3A_164 = vector.broadcast %add3A_163 : i32 to vector<16xi32>
      %add3A_165 = arith.addi %mul3A_51, %add3A_164 : vector<16xi32>
      tpu.vector_store_idx %arg9[%add3A_165], %select_n3A_162 : memref<2048xi32, #tpu.memory_space<vmem>>[vector<16xi32>], vector<16xi32>,
      %convert_element_type3A_166 = arith.extui %or3A_161 : vector<16xi1> to vector<16xi32>
      %add3A_167 = arith.addi %add3A_142, %convert_element_type3A_166 : vector<16xi32>
      %sub3A_168 = arith.constant 1 : i32
      %sub3A_169 = vector.broadcast %sub3A_168 : i32 to vector<16xi32>
      %sub3A_170 = arith.subi %sub3A_169, %convert_element_type3A_166 : vector<16xi32>
      %add3A_171 = arith.addi %add3A_146, %sub3A_170 : vector<16xi32>
      %sub3A_172 = arith.subi %add3A_42, %add3A_167 : vector<16xi32>
      %add3A_173 = arith.addi %add3A_42, %add3A_171 : vector<16xi32>
      %gather3A_174 = tpu.vector_load_idx %arg7[%sub3A_172] : memref<4128xf32, #tpu.memory_space<vmem>>[vector<16xi32>], vector<16xf32>,
      %gather3A_175 = tpu.vector_load_idx %arg8[%sub3A_172] : memref<4128xi32, #tpu.memory_space<vmem>>[vector<16xi32>], vector<16xi32>,
      %gather3A_176 = tpu.vector_load_idx %arg7[%add3A_173] : memref<4128xf32, #tpu.memory_space<vmem>>[vector<16xi32>], vector<16xf32>,
      %gather3A_177 = tpu.vector_load_idx %arg8[%add3A_173] : memref<4128xi32, #tpu.memory_space<vmem>>[vector<16xi32>], vector<16xi32>,
      %sub3A_178 = arith.subf %get3A_44, %gather3A_174 : vector<16xf32>
      %abs3A_179 = math.absf %sub3A_178 : vector<16xf32>
      %sub3A_180 = arith.subf %get3A_44, %gather3A_176 : vector<16xf32>
      %abs3A_181 = math.absf %sub3A_180 : vector<16xf32>
      %lt3A_182 = arith.cmpf olt, %abs3A_179, %abs3A_181 : vector<16xf32>
      %eq3A_183 = arith.cmpf oeq, %abs3A_179, %abs3A_181 : vector<16xf32>
      %lt3A_184 = arith.cmpi slt, %gather3A_175, %gather3A_177 : vector<16xi32>
      %and3A_185 = arith.andi %eq3A_183, %lt3A_184 : vector<16xi1>
      %or3A_186 = arith.ori %lt3A_182, %and3A_185 : vector<16xi1>
      %select_n3A_187 = arith.select %or3A_186, %gather3A_175, %gather3A_177 : vector<16xi1>, vector<16xi32>
      %add3A_188 = arith.constant 5 : i32
      %add3A_189 = vector.broadcast %add3A_188 : i32 to vector<16xi32>
      %add3A_190 = arith.addi %mul3A_51, %add3A_189 : vector<16xi32>
      tpu.vector_store_idx %arg9[%add3A_190], %select_n3A_187 : memref<2048xi32, #tpu.memory_space<vmem>>[vector<16xi32>], vector<16xi32>,
      %convert_element_type3A_191 = arith.extui %or3A_186 : vector<16xi1> to vector<16xi32>
      %add3A_192 = arith.addi %add3A_167, %convert_element_type3A_191 : vector<16xi32>
      %sub3A_193 = arith.constant 1 : i32
      %sub3A_194 = vector.broadcast %sub3A_193 : i32 to vector<16xi32>
      %sub3A_195 = arith.subi %sub3A_194, %convert_element_type3A_191 : vector<16xi32>
      %add3A_196 = arith.addi %add3A_171, %sub3A_195 : vector<16xi32>
      %sub3A_197 = arith.subi %add3A_42, %add3A_192 : vector<16xi32>
      %add3A_198 = arith.addi %add3A_42, %add3A_196 : vector<16xi32>
      %gather3A_199 = tpu.vector_load_idx %arg7[%sub3A_197] : memref<4128xf32, #tpu.memory_space<vmem>>[vector<16xi32>], vector<16xf32>,
      %gather3A_200 = tpu.vector_load_idx %arg8[%sub3A_197] : memref<4128xi32, #tpu.memory_space<vmem>>[vector<16xi32>], vector<16xi32>,
      %gather3A_201 = tpu.vector_load_idx %arg7[%add3A_198] : memref<4128xf32, #tpu.memory_space<vmem>>[vector<16xi32>], vector<16xf32>,
      %gather3A_202 = tpu.vector_load_idx %arg8[%add3A_198] : memref<4128xi32, #tpu.memory_space<vmem>>[vector<16xi32>], vector<16xi32>,
      %sub3A_203 = arith.subf %get3A_44, %gather3A_199 : vector<16xf32>
      %abs3A_204 = math.absf %sub3A_203 : vector<16xf32>
      %sub3A_205 = arith.subf %get3A_44, %gather3A_201 : vector<16xf32>
      %abs3A_206 = math.absf %sub3A_205 : vector<16xf32>
      %lt3A_207 = arith.cmpf olt, %abs3A_204, %abs3A_206 : vector<16xf32>
      %eq3A_208 = arith.cmpf oeq, %abs3A_204, %abs3A_206 : vector<16xf32>
      %lt3A_209 = arith.cmpi slt, %gather3A_200, %gather3A_202 : vector<16xi32>
      %and3A_210 = arith.andi %eq3A_208, %lt3A_209 : vector<16xi1>
      %or3A_211 = arith.ori %lt3A_207, %and3A_210 : vector<16xi1>
      %select_n3A_212 = arith.select %or3A_211, %gather3A_200, %gather3A_202 : vector<16xi1>, vector<16xi32>
      %add3A_213 = arith.constant 6 : i32
      %add3A_214 = vector.broadcast %add3A_213 : i32 to vector<16xi32>
      %add3A_215 = arith.addi %mul3A_51, %add3A_214 : vector<16xi32>
      tpu.vector_store_idx %arg9[%add3A_215], %select_n3A_212 : memref<2048xi32, #tpu.memory_space<vmem>>[vector<16xi32>], vector<16xi32>,
      %convert_element_type3A_216 = arith.extui %or3A_211 : vector<16xi1> to vector<16xi32>
      %add3A_217 = arith.addi %add3A_192, %convert_element_type3A_216 : vector<16xi32>
      %sub3A_218 = arith.constant 1 : i32
      %sub3A_219 = vector.broadcast %sub3A_218 : i32 to vector<16xi32>
      %sub3A_220 = arith.subi %sub3A_219, %convert_element_type3A_216 : vector<16xi32>
      %add3A_221 = arith.addi %add3A_196, %sub3A_220 : vector<16xi32>
      %sub3A_222 = arith.subi %add3A_42, %add3A_217 : vector<16xi32>
      %add3A_223 = arith.addi %add3A_42, %add3A_221 : vector<16xi32>
      %gather3A_224 = tpu.vector_load_idx %arg7[%sub3A_222] : memref<4128xf32, #tpu.memory_space<vmem>>[vector<16xi32>], vector<16xf32>,
      %gather3A_225 = tpu.vector_load_idx %arg8[%sub3A_222] : memref<4128xi32, #tpu.memory_space<vmem>>[vector<16xi32>], vector<16xi32>,
      %gather3A_226 = tpu.vector_load_idx %arg7[%add3A_223] : memref<4128xf32, #tpu.memory_space<vmem>>[vector<16xi32>], vector<16xf32>,
      %gather3A_227 = tpu.vector_load_idx %arg8[%add3A_223] : memref<4128xi32, #tpu.memory_space<vmem>>[vector<16xi32>], vector<16xi32>,
      %sub3A_228 = arith.subf %get3A_44, %gather3A_224 : vector<16xf32>
      %abs3A_229 = math.absf %sub3A_228 : vector<16xf32>
      %sub3A_230 = arith.subf %get3A_44, %gather3A_226 : vector<16xf32>
      %abs3A_231 = math.absf %sub3A_230 : vector<16xf32>
      %lt3A_232 = arith.cmpf olt, %abs3A_229, %abs3A_231 : vector<16xf32>
      %eq3A_233 = arith.cmpf oeq, %abs3A_229, %abs3A_231 : vector<16xf32>
      %lt3A_234 = arith.cmpi slt, %gather3A_225, %gather3A_227 : vector<16xi32>
      %and3A_235 = arith.andi %eq3A_233, %lt3A_234 : vector<16xi1>
      %or3A_236 = arith.ori %lt3A_232, %and3A_235 : vector<16xi1>
      %select_n3A_237 = arith.select %or3A_236, %gather3A_225, %gather3A_227 : vector<16xi1>, vector<16xi32>
      %add3A_238 = arith.constant 7 : i32
      %add3A_239 = vector.broadcast %add3A_238 : i32 to vector<16xi32>
      %add3A_240 = arith.addi %mul3A_51, %add3A_239 : vector<16xi32>
      tpu.vector_store_idx %arg9[%add3A_240], %select_n3A_237 : memref<2048xi32, #tpu.memory_space<vmem>>[vector<16xi32>], vector<16xi32>,
      %convert_element_type3A_241 = arith.extui %or3A_236 : vector<16xi1> to vector<16xi32>
      %add3A_242 = arith.addi %add3A_217, %convert_element_type3A_241 : vector<16xi32>
      %sub3A_243 = arith.constant 1 : i32
      %sub3A_244 = vector.broadcast %sub3A_243 : i32 to vector<16xi32>
      %sub3A_245 = arith.subi %sub3A_244, %convert_element_type3A_241 : vector<16xi32>
      %add3A_246 = arith.addi %add3A_221, %sub3A_245 : vector<16xi32>
      %sub3A_247 = arith.subi %add3A_42, %add3A_242 : vector<16xi32>
      %add3A_248 = arith.addi %add3A_42, %add3A_246 : vector<16xi32>
      %gather3A_249 = tpu.vector_load_idx %arg7[%sub3A_247] : memref<4128xf32, #tpu.memory_space<vmem>>[vector<16xi32>], vector<16xf32>,
      %gather3A_250 = tpu.vector_load_idx %arg8[%sub3A_247] : memref<4128xi32, #tpu.memory_space<vmem>>[vector<16xi32>], vector<16xi32>,
      %gather3A_251 = tpu.vector_load_idx %arg7[%add3A_248] : memref<4128xf32, #tpu.memory_space<vmem>>[vector<16xi32>], vector<16xf32>,
      %gather3A_252 = tpu.vector_load_idx %arg8[%add3A_248] : memref<4128xi32, #tpu.memory_space<vmem>>[vector<16xi32>], vector<16xi32>,
      %sub3A_253 = arith.subf %get3A_44, %gather3A_249 : vector<16xf32>
      %abs3A_254 = math.absf %sub3A_253 : vector<16xf32>
      %sub3A_255 = arith.subf %get3A_44, %gather3A_251 : vector<16xf32>
      %abs3A_256 = math.absf %sub3A_255 : vector<16xf32>
      %lt3A_257 = arith.cmpf olt, %abs3A_254, %abs3A_256 : vector<16xf32>
      %eq3A_258 = arith.cmpf oeq, %abs3A_254, %abs3A_256 : vector<16xf32>
      %lt3A_259 = arith.cmpi slt, %gather3A_250, %gather3A_252 : vector<16xi32>
      %and3A_260 = arith.andi %eq3A_258, %lt3A_259 : vector<16xi1>
      %or3A_261 = arith.ori %lt3A_257, %and3A_260 : vector<16xi1>
      %select_n3A_262 = arith.select %or3A_261, %gather3A_250, %gather3A_252 : vector<16xi1>, vector<16xi32>
      %add3A_263 = arith.constant 8 : i32
      %add3A_264 = vector.broadcast %add3A_263 : i32 to vector<16xi32>
      %add3A_265 = arith.addi %mul3A_51, %add3A_264 : vector<16xi32>
      tpu.vector_store_idx %arg9[%add3A_265], %select_n3A_262 : memref<2048xi32, #tpu.memory_space<vmem>>[vector<16xi32>], vector<16xi32>,
      %convert_element_type3A_266 = arith.extui %or3A_261 : vector<16xi1> to vector<16xi32>
      %add3A_267 = arith.addi %add3A_242, %convert_element_type3A_266 : vector<16xi32>
      %sub3A_268 = arith.constant 1 : i32
      %sub3A_269 = vector.broadcast %sub3A_268 : i32 to vector<16xi32>
      %sub3A_270 = arith.subi %sub3A_269, %convert_element_type3A_266 : vector<16xi32>
      %add3A_271 = arith.addi %add3A_246, %sub3A_270 : vector<16xi32>
      %sub3A_272 = arith.subi %add3A_42, %add3A_267 : vector<16xi32>
      %add3A_273 = arith.addi %add3A_42, %add3A_271 : vector<16xi32>
      %gather3A_274 = tpu.vector_load_idx %arg7[%sub3A_272] : memref<4128xf32, #tpu.memory_space<vmem>>[vector<16xi32>], vector<16xf32>,
      %gather3A_275 = tpu.vector_load_idx %arg8[%sub3A_272] : memref<4128xi32, #tpu.memory_space<vmem>>[vector<16xi32>], vector<16xi32>,
      %gather3A_276 = tpu.vector_load_idx %arg7[%add3A_273] : memref<4128xf32, #tpu.memory_space<vmem>>[vector<16xi32>], vector<16xf32>,
      %gather3A_277 = tpu.vector_load_idx %arg8[%add3A_273] : memref<4128xi32, #tpu.memory_space<vmem>>[vector<16xi32>], vector<16xi32>,
      %sub3A_278 = arith.subf %get3A_44, %gather3A_274 : vector<16xf32>
      %abs3A_279 = math.absf %sub3A_278 : vector<16xf32>
      %sub3A_280 = arith.subf %get3A_44, %gather3A_276 : vector<16xf32>
      %abs3A_281 = math.absf %sub3A_280 : vector<16xf32>
      %lt3A_282 = arith.cmpf olt, %abs3A_279, %abs3A_281 : vector<16xf32>
      %eq3A_283 = arith.cmpf oeq, %abs3A_279, %abs3A_281 : vector<16xf32>
      %lt3A_284 = arith.cmpi slt, %gather3A_275, %gather3A_277 : vector<16xi32>
      %and3A_285 = arith.andi %eq3A_283, %lt3A_284 : vector<16xi1>
      %or3A_286 = arith.ori %lt3A_282, %and3A_285 : vector<16xi1>
      %select_n3A_287 = arith.select %or3A_286, %gather3A_275, %gather3A_277 : vector<16xi1>, vector<16xi32>
      %add3A_288 = arith.constant 9 : i32
      %add3A_289 = vector.broadcast %add3A_288 : i32 to vector<16xi32>
      %add3A_290 = arith.addi %mul3A_51, %add3A_289 : vector<16xi32>
      tpu.vector_store_idx %arg9[%add3A_290], %select_n3A_287 : memref<2048xi32, #tpu.memory_space<vmem>>[vector<16xi32>], vector<16xi32>,
      %convert_element_type3A_291 = arith.extui %or3A_286 : vector<16xi1> to vector<16xi32>
      %add3A_292 = arith.addi %add3A_267, %convert_element_type3A_291 : vector<16xi32>
      %sub3A_293 = arith.constant 1 : i32
      %sub3A_294 = vector.broadcast %sub3A_293 : i32 to vector<16xi32>
      %sub3A_295 = arith.subi %sub3A_294, %convert_element_type3A_291 : vector<16xi32>
      %add3A_296 = arith.addi %add3A_271, %sub3A_295 : vector<16xi32>
      %sub3A_297 = arith.subi %add3A_42, %add3A_292 : vector<16xi32>
      %add3A_298 = arith.addi %add3A_42, %add3A_296 : vector<16xi32>
      %gather3A_299 = tpu.vector_load_idx %arg7[%sub3A_297] : memref<4128xf32, #tpu.memory_space<vmem>>[vector<16xi32>], vector<16xf32>,
      %gather3A_300 = tpu.vector_load_idx %arg8[%sub3A_297] : memref<4128xi32, #tpu.memory_space<vmem>>[vector<16xi32>], vector<16xi32>,
      %gather3A_301 = tpu.vector_load_idx %arg7[%add3A_298] : memref<4128xf32, #tpu.memory_space<vmem>>[vector<16xi32>], vector<16xf32>,
      %gather3A_302 = tpu.vector_load_idx %arg8[%add3A_298] : memref<4128xi32, #tpu.memory_space<vmem>>[vector<16xi32>], vector<16xi32>,
      %sub3A_303 = arith.subf %get3A_44, %gather3A_299 : vector<16xf32>
      %abs3A_304 = math.absf %sub3A_303 : vector<16xf32>
      %sub3A_305 = arith.subf %get3A_44, %gather3A_301 : vector<16xf32>
      %abs3A_306 = math.absf %sub3A_305 : vector<16xf32>
      %lt3A_307 = arith.cmpf olt, %abs3A_304, %abs3A_306 : vector<16xf32>
      %eq3A_308 = arith.cmpf oeq, %abs3A_304, %abs3A_306 : vector<16xf32>
      %lt3A_309 = arith.cmpi slt, %gather3A_300, %gather3A_302 : vector<16xi32>
      %and3A_310 = arith.andi %eq3A_308, %lt3A_309 : vector<16xi1>
      %or3A_311 = arith.ori %lt3A_307, %and3A_310 : vector<16xi1>
      %select_n3A_312 = arith.select %or3A_311, %gather3A_300, %gather3A_302 : vector<16xi1>, vector<16xi32>
      %add3A_313 = arith.constant 10 : i32
      %add3A_314 = vector.broadcast %add3A_313 : i32 to vector<16xi32>
      %add3A_315 = arith.addi %mul3A_51, %add3A_314 : vector<16xi32>
      tpu.vector_store_idx %arg9[%add3A_315], %select_n3A_312 : memref<2048xi32, #tpu.memory_space<vmem>>[vector<16xi32>], vector<16xi32>,
      %convert_element_type3A_316 = arith.extui %or3A_311 : vector<16xi1> to vector<16xi32>
      %add3A_317 = arith.addi %add3A_292, %convert_element_type3A_316 : vector<16xi32>
      %sub3A_318 = arith.constant 1 : i32
      %sub3A_319 = vector.broadcast %sub3A_318 : i32 to vector<16xi32>
      %sub3A_320 = arith.subi %sub3A_319, %convert_element_type3A_316 : vector<16xi32>
      %add3A_321 = arith.addi %add3A_296, %sub3A_320 : vector<16xi32>
      %sub3A_322 = arith.subi %add3A_42, %add3A_317 : vector<16xi32>
      %add3A_323 = arith.addi %add3A_42, %add3A_321 : vector<16xi32>
      %gather3A_324 = tpu.vector_load_idx %arg7[%sub3A_322] : memref<4128xf32, #tpu.memory_space<vmem>>[vector<16xi32>], vector<16xf32>,
      %gather3A_325 = tpu.vector_load_idx %arg8[%sub3A_322] : memref<4128xi32, #tpu.memory_space<vmem>>[vector<16xi32>], vector<16xi32>,
      %gather3A_326 = tpu.vector_load_idx %arg7[%add3A_323] : memref<4128xf32, #tpu.memory_space<vmem>>[vector<16xi32>], vector<16xf32>,
      %gather3A_327 = tpu.vector_load_idx %arg8[%add3A_323] : memref<4128xi32, #tpu.memory_space<vmem>>[vector<16xi32>], vector<16xi32>,
      %sub3A_328 = arith.subf %get3A_44, %gather3A_324 : vector<16xf32>
      %abs3A_329 = math.absf %sub3A_328 : vector<16xf32>
      %sub3A_330 = arith.subf %get3A_44, %gather3A_326 : vector<16xf32>
      %abs3A_331 = math.absf %sub3A_330 : vector<16xf32>
      %lt3A_332 = arith.cmpf olt, %abs3A_329, %abs3A_331 : vector<16xf32>
      %eq3A_333 = arith.cmpf oeq, %abs3A_329, %abs3A_331 : vector<16xf32>
      %lt3A_334 = arith.cmpi slt, %gather3A_325, %gather3A_327 : vector<16xi32>
      %and3A_335 = arith.andi %eq3A_333, %lt3A_334 : vector<16xi1>
      %or3A_336 = arith.ori %lt3A_332, %and3A_335 : vector<16xi1>
      %select_n3A_337 = arith.select %or3A_336, %gather3A_325, %gather3A_327 : vector<16xi1>, vector<16xi32>
      %add3A_338 = arith.constant 11 : i32
      %add3A_339 = vector.broadcast %add3A_338 : i32 to vector<16xi32>
      %add3A_340 = arith.addi %mul3A_51, %add3A_339 : vector<16xi32>
      tpu.vector_store_idx %arg9[%add3A_340], %select_n3A_337 : memref<2048xi32, #tpu.memory_space<vmem>>[vector<16xi32>], vector<16xi32>,
      %convert_element_type3A_341 = arith.extui %or3A_336 : vector<16xi1> to vector<16xi32>
      %add3A_342 = arith.addi %add3A_317, %convert_element_type3A_341 : vector<16xi32>
      %sub3A_343 = arith.constant 1 : i32
      %sub3A_344 = vector.broadcast %sub3A_343 : i32 to vector<16xi32>
      %sub3A_345 = arith.subi %sub3A_344, %convert_element_type3A_341 : vector<16xi32>
      %add3A_346 = arith.addi %add3A_321, %sub3A_345 : vector<16xi32>
      %sub3A_347 = arith.subi %add3A_42, %add3A_342 : vector<16xi32>
      %add3A_348 = arith.addi %add3A_42, %add3A_346 : vector<16xi32>
      %gather3A_349 = tpu.vector_load_idx %arg7[%sub3A_347] : memref<4128xf32, #tpu.memory_space<vmem>>[vector<16xi32>], vector<16xf32>,
      %gather3A_350 = tpu.vector_load_idx %arg8[%sub3A_347] : memref<4128xi32, #tpu.memory_space<vmem>>[vector<16xi32>], vector<16xi32>,
      %gather3A_351 = tpu.vector_load_idx %arg7[%add3A_348] : memref<4128xf32, #tpu.memory_space<vmem>>[vector<16xi32>], vector<16xf32>,
      %gather3A_352 = tpu.vector_load_idx %arg8[%add3A_348] : memref<4128xi32, #tpu.memory_space<vmem>>[vector<16xi32>], vector<16xi32>,
      %sub3A_353 = arith.subf %get3A_44, %gather3A_349 : vector<16xf32>
      %abs3A_354 = math.absf %sub3A_353 : vector<16xf32>
      %sub3A_355 = arith.subf %get3A_44, %gather3A_351 : vector<16xf32>
      %abs3A_356 = math.absf %sub3A_355 : vector<16xf32>
      %lt3A_357 = arith.cmpf olt, %abs3A_354, %abs3A_356 : vector<16xf32>
      %eq3A_358 = arith.cmpf oeq, %abs3A_354, %abs3A_356 : vector<16xf32>
      %lt3A_359 = arith.cmpi slt, %gather3A_350, %gather3A_352 : vector<16xi32>
      %and3A_360 = arith.andi %eq3A_358, %lt3A_359 : vector<16xi1>
      %or3A_361 = arith.ori %lt3A_357, %and3A_360 : vector<16xi1>
      %select_n3A_362 = arith.select %or3A_361, %gather3A_350, %gather3A_352 : vector<16xi1>, vector<16xi32>
      %add3A_363 = arith.constant 12 : i32
      %add3A_364 = vector.broadcast %add3A_363 : i32 to vector<16xi32>
      %add3A_365 = arith.addi %mul3A_51, %add3A_364 : vector<16xi32>
      tpu.vector_store_idx %arg9[%add3A_365], %select_n3A_362 : memref<2048xi32, #tpu.memory_space<vmem>>[vector<16xi32>], vector<16xi32>,
      %convert_element_type3A_366 = arith.extui %or3A_361 : vector<16xi1> to vector<16xi32>
      %add3A_367 = arith.addi %add3A_342, %convert_element_type3A_366 : vector<16xi32>
      %sub3A_368 = arith.constant 1 : i32
      %sub3A_369 = vector.broadcast %sub3A_368 : i32 to vector<16xi32>
      %sub3A_370 = arith.subi %sub3A_369, %convert_element_type3A_366 : vector<16xi32>
      %add3A_371 = arith.addi %add3A_346, %sub3A_370 : vector<16xi32>
      %sub3A_372 = arith.subi %add3A_42, %add3A_367 : vector<16xi32>
      %add3A_373 = arith.addi %add3A_42, %add3A_371 : vector<16xi32>
      %gather3A_374 = tpu.vector_load_idx %arg7[%sub3A_372] : memref<4128xf32, #tpu.memory_space<vmem>>[vector<16xi32>], vector<16xf32>,
      %gather3A_375 = tpu.vector_load_idx %arg8[%sub3A_372] : memref<4128xi32, #tpu.memory_space<vmem>>[vector<16xi32>], vector<16xi32>,
      %gather3A_376 = tpu.vector_load_idx %arg7[%add3A_373] : memref<4128xf32, #tpu.memory_space<vmem>>[vector<16xi32>], vector<16xf32>,
      %gather3A_377 = tpu.vector_load_idx %arg8[%add3A_373] : memref<4128xi32, #tpu.memory_space<vmem>>[vector<16xi32>], vector<16xi32>,
      %sub3A_378 = arith.subf %get3A_44, %gather3A_374 : vector<16xf32>
      %abs3A_379 = math.absf %sub3A_378 : vector<16xf32>
      %sub3A_380 = arith.subf %get3A_44, %gather3A_376 : vector<16xf32>
      %abs3A_381 = math.absf %sub3A_380 : vector<16xf32>
      %lt3A_382 = arith.cmpf olt, %abs3A_379, %abs3A_381 : vector<16xf32>
      %eq3A_383 = arith.cmpf oeq, %abs3A_379, %abs3A_381 : vector<16xf32>
      %lt3A_384 = arith.cmpi slt, %gather3A_375, %gather3A_377 : vector<16xi32>
      %and3A_385 = arith.andi %eq3A_383, %lt3A_384 : vector<16xi1>
      %or3A_386 = arith.ori %lt3A_382, %and3A_385 : vector<16xi1>
      %select_n3A_387 = arith.select %or3A_386, %gather3A_375, %gather3A_377 : vector<16xi1>, vector<16xi32>
      %add3A_388 = arith.constant 13 : i32
      %add3A_389 = vector.broadcast %add3A_388 : i32 to vector<16xi32>
      %add3A_390 = arith.addi %mul3A_51, %add3A_389 : vector<16xi32>
      tpu.vector_store_idx %arg9[%add3A_390], %select_n3A_387 : memref<2048xi32, #tpu.memory_space<vmem>>[vector<16xi32>], vector<16xi32>,
      %convert_element_type3A_391 = arith.extui %or3A_386 : vector<16xi1> to vector<16xi32>
      %add3A_392 = arith.addi %add3A_367, %convert_element_type3A_391 : vector<16xi32>
      %sub3A_393 = arith.constant 1 : i32
      %sub3A_394 = vector.broadcast %sub3A_393 : i32 to vector<16xi32>
      %sub3A_395 = arith.subi %sub3A_394, %convert_element_type3A_391 : vector<16xi32>
      %add3A_396 = arith.addi %add3A_371, %sub3A_395 : vector<16xi32>
      %sub3A_397 = arith.subi %add3A_42, %add3A_392 : vector<16xi32>
      %add3A_398 = arith.addi %add3A_42, %add3A_396 : vector<16xi32>
      %gather3A_399 = tpu.vector_load_idx %arg7[%sub3A_397] : memref<4128xf32, #tpu.memory_space<vmem>>[vector<16xi32>], vector<16xf32>,
      %gather3A_400 = tpu.vector_load_idx %arg8[%sub3A_397] : memref<4128xi32, #tpu.memory_space<vmem>>[vector<16xi32>], vector<16xi32>,
      %gather3A_401 = tpu.vector_load_idx %arg7[%add3A_398] : memref<4128xf32, #tpu.memory_space<vmem>>[vector<16xi32>], vector<16xf32>,
      %gather3A_402 = tpu.vector_load_idx %arg8[%add3A_398] : memref<4128xi32, #tpu.memory_space<vmem>>[vector<16xi32>], vector<16xi32>,
      %sub3A_403 = arith.subf %get3A_44, %gather3A_399 : vector<16xf32>
      %abs3A_404 = math.absf %sub3A_403 : vector<16xf32>
      %sub3A_405 = arith.subf %get3A_44, %gather3A_401 : vector<16xf32>
      %abs3A_406 = math.absf %sub3A_405 : vector<16xf32>
      %lt3A_407 = arith.cmpf olt, %abs3A_404, %abs3A_406 : vector<16xf32>
      %eq3A_408 = arith.cmpf oeq, %abs3A_404, %abs3A_406 : vector<16xf32>
      %lt3A_409 = arith.cmpi slt, %gather3A_400, %gather3A_402 : vector<16xi32>
      %and3A_410 = arith.andi %eq3A_408, %lt3A_409 : vector<16xi1>
      %or3A_411 = arith.ori %lt3A_407, %and3A_410 : vector<16xi1>
      %select_n3A_412 = arith.select %or3A_411, %gather3A_400, %gather3A_402 : vector<16xi1>, vector<16xi32>
      %add3A_413 = arith.constant 14 : i32
      %add3A_414 = vector.broadcast %add3A_413 : i32 to vector<16xi32>
      %add3A_415 = arith.addi %mul3A_51, %add3A_414 : vector<16xi32>
      tpu.vector_store_idx %arg9[%add3A_415], %select_n3A_412 : memref<2048xi32, #tpu.memory_space<vmem>>[vector<16xi32>], vector<16xi32>,
      %convert_element_type3A_416 = arith.extui %or3A_411 : vector<16xi1> to vector<16xi32>
      %add3A_417 = arith.addi %add3A_392, %convert_element_type3A_416 : vector<16xi32>
      %sub3A_418 = arith.constant 1 : i32
      %sub3A_419 = vector.broadcast %sub3A_418 : i32 to vector<16xi32>
      %sub3A_420 = arith.subi %sub3A_419, %convert_element_type3A_416 : vector<16xi32>
      %add3A_421 = arith.addi %add3A_396, %sub3A_420 : vector<16xi32>
      %sub3A_422 = arith.subi %add3A_42, %add3A_417 : vector<16xi32>
      %add3A_423 = arith.addi %add3A_42, %add3A_421 : vector<16xi32>
      %gather3A_424 = tpu.vector_load_idx %arg7[%sub3A_422] : memref<4128xf32, #tpu.memory_space<vmem>>[vector<16xi32>], vector<16xf32>,
      %gather3A_425 = tpu.vector_load_idx %arg8[%sub3A_422] : memref<4128xi32, #tpu.memory_space<vmem>>[vector<16xi32>], vector<16xi32>,
      %gather3A_426 = tpu.vector_load_idx %arg7[%add3A_423] : memref<4128xf32, #tpu.memory_space<vmem>>[vector<16xi32>], vector<16xf32>,
      %gather3A_427 = tpu.vector_load_idx %arg8[%add3A_423] : memref<4128xi32, #tpu.memory_space<vmem>>[vector<16xi32>], vector<16xi32>,
      %sub3A_428 = arith.subf %get3A_44, %gather3A_424 : vector<16xf32>
      %abs3A_429 = math.absf %sub3A_428 : vector<16xf32>
      %sub3A_430 = arith.subf %get3A_44, %gather3A_426 : vector<16xf32>
      %abs3A_431 = math.absf %sub3A_430 : vector<16xf32>
      %lt3A_432 = arith.cmpf olt, %abs3A_429, %abs3A_431 : vector<16xf32>
      %eq3A_433 = arith.cmpf oeq, %abs3A_429, %abs3A_431 : vector<16xf32>
      %lt3A_434 = arith.cmpi slt, %gather3A_425, %gather3A_427 : vector<16xi32>
      %and3A_435 = arith.andi %eq3A_433, %lt3A_434 : vector<16xi1>
      %or3A_436 = arith.ori %lt3A_432, %and3A_435 : vector<16xi1>
      %select_n3A_437 = arith.select %or3A_436, %gather3A_425, %gather3A_427 : vector<16xi1>, vector<16xi32>
      %add3A_438 = arith.constant 15 : i32
      %add3A_439 = vector.broadcast %add3A_438 : i32 to vector<16xi32>
      %add3A_440 = arith.addi %mul3A_51, %add3A_439 : vector<16xi32>
      tpu.vector_store_idx %arg9[%add3A_440], %select_n3A_437 : memref<2048xi32, #tpu.memory_space<vmem>>[vector<16xi32>], vector<16xi32>,
      %convert_element_type3A_441 = arith.extui %or3A_436 : vector<16xi1> to vector<16xi32>
      %add3A_442 = arith.addi %add3A_417, %convert_element_type3A_441 : vector<16xi32>
      %sub3A_443 = arith.constant 1 : i32
      %sub3A_444 = vector.broadcast %sub3A_443 : i32 to vector<16xi32>
      %sub3A_445 = arith.subi %sub3A_444, %convert_element_type3A_441 : vector<16xi32>
      %add3A_446 = arith.addi %add3A_421, %sub3A_445 : vector<16xi32>
    }
    %scan3A_21 = arith.constant 8 : i32
    %scan3A_22 = arith.constant 0 : i32
    %scan3A_23 = arith.constant 0 : i32
    %scan3A_24 = arith.constant 16 : i32
    %scan3A_25 = arith.addi %scan3A_23, %scan3A_24 : i32
    %scan3A_26 = arith.constant 1 : i32
    scf.for %scan3A_33 = %scan3A_23 to %scan3A_25 step %scan3A_26  : i32 {
      %mul3A_34 = arith.constant 4096 : i32
      %mul3A_35 = arith.muli %scan3A_33, %mul3A_34 : i32
      %scan3A_36 = arith.constant 0 : i32
      %scan3A_37 = arith.constant 0 : i32
      %scan3A_38 = arith.constant 128 : i32
      %scan3A_39 = arith.addi %scan3A_37, %scan3A_38 : i32
      %scan3A_40 = arith.constant 1 : i32
      scf.for %scan3A_42 = %scan3A_37 to %scan3A_39 step %scan3A_40  : i32 {
        %mul3A_43 = arith.constant 16 : i32
        %mul3A_44 = arith.muli %scan3A_42, %mul3A_43 : i32
        %get3A = arith.index_cast %mul3A_44 : i32 to index
        %get3A_45 = tpu.vector_load %arg9[%get3A] {strides = array<i32>} : memref<2048xi32, #tpu.memory_space<vmem>>, vector<16xi32>,
        %add3A_46 = vector.broadcast %mul3A_35 : i32 to vector<16xi32>
        %add3A_47 = arith.addi %get3A_45, %add3A_46 : vector<16xi32>
        %swap3A_48 = arith.index_cast %scan3A_33 : i32 to index
        %swap3A_49 = arith.index_cast %mul3A_44 : i32 to index
        %swap3A_50 = tpu.vector_load %arg10[%swap3A_48, %swap3A_49] {strides = array<i32>} : memref<16x2048xi32, #tpu.memory_space<vmem>>, vector<16xi32>,
        tpu.vector_store %arg10[%swap3A_48, %swap3A_49], %add3A_47 {strides = array<i32>} : memref<16x2048xi32, #tpu.memory_space<vmem>>, vector<16xi32>,
        %broadcast_in_dim3A_51 = arith.constant 0 : i32
        %broadcast_in_dim3A_52 = vector.broadcast %broadcast_in_dim3A_51 : i32 to vector<16xi32>
        %mul3A_53 = arith.constant 128 : i32
        %mul3A_54 = arith.muli %add3A, %mul3A_53 : i32
        %add3A_55 = arith.addi %mul3A_54, %scan3A_42 : i32
        %add3A_56 = arith.addi %add3A_55, %mul3A_35 : i32
        %add3A_57 = vector.broadcast %add3A_56 : i32 to vector<16xi32>
        %add3A_58 = arith.addi %broadcast_in_dim3A_52, %add3A_57 : vector<16xi32>
        %swap3A_59 = arith.index_cast %scan3A_33 : i32 to index
        %swap3A_60 = arith.index_cast %mul3A_44 : i32 to index
        %swap3A_61 = tpu.vector_load %arg11[%swap3A_59, %swap3A_60] {strides = array<i32>} : memref<16x2048xi32, #tpu.memory_space<vmem>>, vector<16xi32>,
        tpu.vector_store %arg11[%swap3A_59, %swap3A_60], %add3A_58 {strides = array<i32>} : memref<16x2048xi32, #tpu.memory_space<vmem>>, vector<16xi32>,
      }
      %scan3A_41 = arith.constant 128 : i32
    }
    %scan3A_27 = arith.constant 16 : i32
    %mul3A_28 = arith.constant 2048 : i32
    %mul3A_29 = arith.muli %add3A, %mul3A_28 : i32
    %run_scoped3A = arith.constant 0 : i32
    "tpu.region"() ({
      %run_scoped3A_33 = tpu.sem_alloc : memref<!tpu.dma_semaphore, #tpu.memory_space<semaphore_mem>>
      %dma_start3A = arith.constant 0 : i32
      %dma_start3A_34 = tpu.memref_slice %arg4[%run_scoped3A, %dma_start3A, %mul3A_29] : memref<2x16x65536xi32, #tpu.memory_space<hbm>> -> memref<1x16x2048xi32, #tpu.memory_space<hbm>>
      %dma_start3A_35 = tpu.memref_squeeze %dma_start3A_34 : memref<1x16x2048xi32, #tpu.memory_space<hbm>> -> memref<16x2048xi32, #tpu.memory_space<hbm>>
      %dma_start3A_36 = arith.constant 0 : i32
      %dma_start3A_37 = tpu.memref_slice %arg4[%run_scoped3A, %dma_start3A_36, %mul3A_29] : memref<2x16x65536xi32, #tpu.memory_space<hbm>> -> memref<1x16x2048xi32, #tpu.memory_space<hbm>>
      %dma_start3A_38 = tpu.memref_squeeze %dma_start3A_37 : memref<1x16x2048xi32, #tpu.memory_space<hbm>> -> memref<16x2048xi32, #tpu.memory_space<hbm>>
      tpu.enqueue_dma source(%arg10 : memref<16x2048xi32, #tpu.memory_space<vmem>>) target(%dma_start3A_38 : memref<16x2048xi32, #tpu.memory_space<hbm>>) target_semaphore(%run_scoped3A_33 : memref<!tpu.dma_semaphore, #tpu.memory_space<semaphore_mem>>)
      %dma_wait3A = arith.constant 0 : i32
      %dma_wait3A_39 = tpu.memref_slice %arg4[%run_scoped3A, %dma_wait3A, %mul3A_29] : memref<2x16x65536xi32, #tpu.memory_space<hbm>> -> memref<1x16x2048xi32, #tpu.memory_space<hbm>>
      %dma_wait3A_40 = tpu.memref_squeeze %dma_wait3A_39 : memref<1x16x2048xi32, #tpu.memory_space<hbm>> -> memref<16x2048xi32, #tpu.memory_space<hbm>>
      %dma_wait3A_41 = arith.constant 0 : i32
      %dma_wait3A_42 = tpu.memref_slice %arg4[%run_scoped3A, %dma_wait3A_41, %mul3A_29] : memref<2x16x65536xi32, #tpu.memory_space<hbm>> -> memref<1x16x2048xi32, #tpu.memory_space<hbm>>
      %dma_wait3A_43 = tpu.memref_squeeze %dma_wait3A_42 : memref<1x16x2048xi32, #tpu.memory_space<hbm>> -> memref<16x2048xi32, #tpu.memory_space<hbm>>
      tpu.wait_dma2 semaphore(%run_scoped3A_33 : memref<!tpu.dma_semaphore, #tpu.memory_space<semaphore_mem>>) src(%arg10 : memref<16x2048xi32, #tpu.memory_space<vmem>>) dst(%dma_wait3A_43 : memref<16x2048xi32, #tpu.memory_space<hbm>>)
      tpu.yield
    }) : () -> ()
    %mul3A_30 = arith.constant 2048 : i32
    %mul3A_31 = arith.muli %add3A, %mul3A_30 : i32
    %run_scoped3A_32 = arith.constant 1 : i32
    "tpu.region"() ({
      %run_scoped3A_33 = tpu.sem_alloc : memref<!tpu.dma_semaphore, #tpu.memory_space<semaphore_mem>>
      %dma_start3A = arith.constant 0 : i32
      %dma_start3A_34 = tpu.memref_slice %arg4[%run_scoped3A_32, %dma_start3A, %mul3A_31] : memref<2x16x65536xi32, #tpu.memory_space<hbm>> -> memref<1x16x2048xi32, #tpu.memory_space<hbm>>
      %dma_start3A_35 = tpu.memref_squeeze %dma_start3A_34 : memref<1x16x2048xi32, #tpu.memory_space<hbm>> -> memref<16x2048xi32, #tpu.memory_space<hbm>>
      %dma_start3A_36 = arith.constant 0 : i32
      %dma_start3A_37 = tpu.memref_slice %arg4[%run_scoped3A_32, %dma_start3A_36, %mul3A_31] : memref<2x16x65536xi32, #tpu.memory_space<hbm>> -> memref<1x16x2048xi32, #tpu.memory_space<hbm>>
      %dma_start3A_38 = tpu.memref_squeeze %dma_start3A_37 : memref<1x16x2048xi32, #tpu.memory_space<hbm>> -> memref<16x2048xi32, #tpu.memory_space<hbm>>
      tpu.enqueue_dma source(%arg11 : memref<16x2048xi32, #tpu.memory_space<vmem>>) target(%dma_start3A_38 : memref<16x2048xi32, #tpu.memory_space<hbm>>) target_semaphore(%run_scoped3A_33 : memref<!tpu.dma_semaphore, #tpu.memory_space<semaphore_mem>>)
      %dma_wait3A = arith.constant 0 : i32
      %dma_wait3A_39 = tpu.memref_slice %arg4[%run_scoped3A_32, %dma_wait3A, %mul3A_31] : memref<2x16x65536xi32, #tpu.memory_space<hbm>> -> memref<1x16x2048xi32, #tpu.memory_space<hbm>>
      %dma_wait3A_40 = tpu.memref_squeeze %dma_wait3A_39 : memref<1x16x2048xi32, #tpu.memory_space<hbm>> -> memref<16x2048xi32, #tpu.memory_space<hbm>>
      %dma_wait3A_41 = arith.constant 0 : i32
      %dma_wait3A_42 = tpu.memref_slice %arg4[%run_scoped3A_32, %dma_wait3A_41, %mul3A_31] : memref<2x16x65536xi32, #tpu.memory_space<hbm>> -> memref<1x16x2048xi32, #tpu.memory_space<hbm>>
      %dma_wait3A_43 = tpu.memref_squeeze %dma_wait3A_42 : memref<1x16x2048xi32, #tpu.memory_space<hbm>> -> memref<16x2048xi32, #tpu.memory_space<hbm>>
      tpu.wait_dma2 semaphore(%run_scoped3A_33 : memref<!tpu.dma_semaphore, #tpu.memory_space<semaphore_mem>>) src(%arg11 : memref<16x2048xi32, #tpu.memory_space<vmem>>) dst(%dma_wait3A_43 : memref<16x2048xi32, #tpu.memory_space<hbm>>)
      tpu.yield
    }) : () -> ()
    return
  }
}

module attributes {stable_mosaic.version = 14 : i64} {
  func.func @_rank_body(%arg0: i32, %arg1: memref<4096xf32, #tpu.memory_space<vmem>>, %arg2: memref<256xf32, #tpu.memory_space<vmem>>, %arg3: memref<256xi32, #tpu.memory_space<vmem>>) attributes {dimension_semantics = [#tpu.dimension_semantics<arbitrary>], iteration_bounds = array<i64: 16>, scalar_prefetch = 0 : i64, scratch_operands = 0 : i64, tpu.core_type = #tpu.core_type<tc>, window_params = [{pipeline_mode = #tpu.pipeline_mode<synchronous>, transform_indices = @transform_0, window_bounds = array<i64: 4096>}, {transform_indices = @transform_1, window_bounds = array<i64: 256>}, {transform_indices = @transform_2, window_bounds = array<i64: 256>}]} {
    %get3A = arith.constant 0 : index
    %get3A_0 = vector.load %arg2[%get3A] : memref<256xf32, #tpu.memory_space<vmem>>, vector<256xf32>
    %bitcast_convert_type3A = tpu.bitcast %get3A_0 : vector<256xf32> -> vector<256xi32>
    %reshape3A = vector.shape_cast %bitcast_convert_type3A : vector<256xi32> to vector<256x1xi32>
    %get3A_1 = arith.constant 0 : index
    %get3A_2 = vector.load %arg1[%get3A_1] : memref<4096xf32, #tpu.memory_space<vmem>>, vector<4096xf32>
    %bitcast_convert_type3A_3 = tpu.bitcast %get3A_2 : vector<4096xf32> -> vector<4096xi32>
    %reshape3A_4 = vector.shape_cast %bitcast_convert_type3A_3 : vector<4096xi32> to vector<1x4096xi32>
    %iota3A = tpu.iota {dimensions = array<i32: 1>} : vector<256x4096xi32>
    %iota3A_5 = tpu.iota {dimensions = array<i32: 0>} : vector<256x4096xi32>
    %mul3A = arith.constant 256 : i32
    %mul3A_6 = arith.muli %arg0, %mul3A : i32
    %add3A = vector.broadcast %mul3A_6 : i32 to vector<256x4096xi32>
    %add3A_7 = arith.addi %iota3A_5, %add3A : vector<256x4096xi32>
    %lt3A = arith.cmpi slt, %iota3A, %add3A_7 : vector<256x4096xi32>
    %convert_element_type3A = arith.extui %lt3A : vector<256x4096xi1> to vector<256x4096xi32>
    %sub3A = vector.broadcast %reshape3A_4 : vector<1x4096xi32> to vector<256x4096xi32>
    %sub3A_8 = arith.subi %sub3A, %convert_element_type3A : vector<256x4096xi32>
    %lt3A_9 = vector.broadcast %reshape3A : vector<256x1xi32> to vector<256x4096xi32>
    %lt3A_10 = arith.cmpi slt, %sub3A_8, %lt3A_9 : vector<256x4096xi32>
    %convert_element_type3A_11 = arith.extui %lt3A_10 : vector<256x4096xi1> to vector<256x4096xi32>
    %reduce_sum3A = arith.constant dense<0> : vector<256xi32>
    %reduce_sum3A_12 = vector.multi_reduction <add>, %convert_element_type3A_11, %reduce_sum3A [1] : vector<256x4096xi32> to vector<256xi32>
    %swap3A = arith.constant 0 : index
    %swap3A_13 = vector.load %arg3[%swap3A] : memref<256xi32, #tpu.memory_space<vmem>>, vector<256xi32>
    tpu.vector_store %arg3[%swap3A], %reduce_sum3A_12 {strides = array<i32>} : memref<256xi32, #tpu.memory_space<vmem>>, vector<256xi32>,
    return
  }
  func.func @transform_0(%arg0: i32) -> i32 {
    %c0_i32 = arith.constant 0 : i32
    %c0_i32_0 = arith.constant 0 : i32
    return %c0_i32 : i32
  }
  func.func @transform_1(%arg0: i32) -> i32 {
    %c0_i32 = arith.constant 0 : i32
    return %arg0 : i32
  }
  func.func @transform_2(%arg0: i32) -> i32 {
    %c0_i32 = arith.constant 0 : i32
    return %arg0 : i32
  }
}

</mosaic_0001>

<sc_bundles>
// kernel: kernel.4.cloned.1.call-start
scs
__scs_entry_jumppad:
0x0: {  	(pc) =	sbr.rel $0x88, $3  }
0x1: {  	(tag) =	ssettag $0x0;
	lr =	simm.s32 $0x1  }
0x2: {  	[smem:$0x3F9A] =	sst lr;
	_ =	strace $0xD0000000  }
0x3: {  	_ = 	snop  }
0x4: {  	_ = 	snop  }
0x5: {  	_ = 	snop  }
0x6: {  	_ = 	snop  }
0x7: {  	_ = 	snop  }
__scs_overlays_trampoline_lowered:
0x8: {  	[smem:$0x3FA9] =	sst s0  }
0x9: {  	[smem:$0x3FAA] =	sst s1  }
0xa: {  	[smem:$0x3FAB] =	sst s2  }
0xb: {  	[smem:$0x3FAC] =	sst s3  }
0xc: {  	[smem:$0x3FAD] =	sst s4  }
0xd: {  	[smem:$0x3FAE] =	sst s5  }
0xe: {  	[smem:$0x3FAF] =	sst s6  }
0xf: {  	[smem:$0x3FB0] =	sst s7  }
0x10: {  	[smem:$0x3FB1] =	sst s8  }
0x11: {  	[smem:$0x3FB2] =	sst s9;
	s0 =	simm.s32 @!p0 $0x0  }
0x12: {  	s1 =	sld [smem:$0x3F98];
	s0 =	simm.s32 @p0 $0x1  }
0x13: {  	[smem:$0x3FB3] =	sst s0;
	s0 =	simm.s32 @!p1 $0x0  }
0x14: {  	s2 =	sld [smem:$0x3F97];
	s0 =	simm.s32 @p1 $0x1  }
0x15: {  	[smem:$0x3FB4] =	sst s0;
	s0 =	simm.s32 @!p2 $0x0  }
0x16: {  	s3 =	sld [smem:$0x3FDB];
	s0 =	simm.s32 @p2 $0x1  }
0x17: {  	s4 =	simm.s32 $0x1BF5;
	[smem:$0x3FB6] =	sst s0  }
0x18: {  	s0 =	sld [smem:$0x3F99];
	_ =	swait.ge [sflag:s4], $0x0  }
0x19: {  	s7 =	sld [smem:$0x3F9A]  }
0x1a: {  	s8 =	sadd.s32 $0xFFFFE003, lr  }
0x1b: {  	s9 =	sadd.s32 $0xFFFFFEF7, lr;
	s5 =	simm.s32 $0xFFFFFFFF;
	p2 =	slt.u32 s8, $0xFFFFF086  }
0x1c: {  	p1 =	slt.u32 s9, $0xF7A;
	s5 =	simm.s32 @!p2 $0x0  }
0x1d: {  	s5 =	simm.s32 @p1 $0x1;
	p0 =	seq.s32 s7, s2  }
0x1e: {  	s7 =	smul.u32 @!p0 $0xF7A, s2;
	p2 =	seq.s32 @!p0 s5, $0x0  }
0x1f: {  	s9 =	smul.u32 $0xF7A, s1;
	s8 =	simm.s32 @!p0 $0x1BF5;
	p2 =	por !p2, p0  }
0x20: {  	[sflag:s8] =	ssyncset.s32 @!p0 $0xFFFFF086;
	s6 =	sadd.s32 @!p0 s3, s7;
	s7 =	simm.s32 @!p0 $0x108  }
0x21: {  	s3 =	sadd.s32 s3, s9;
	s6 =	sadd.s32 @!p0 $0x88, s6;
	s7 =	simm.s32 @p2 $0x1082  }
0x22: {  	[simem:s7], [sflag:s8] =	dma.local @!p0 [hbm:s6], $0xF7A  }
0x23: {  	s9 =	sor.u32 $0xD0000000, s2;
	s6 =	simm.s32 $0x108;
	_ =	swait.ge @!p0 [sflag:s8], $0x0  }
0x24: {  	s3 =	sadd.s32 $0x88, s3;
	s6 =	simm.s32 @!p1 $0x1082;
	[sflag:s4] =	ssyncset.s32 $0xFFFFF086  }
0x25: {  	[simem:s6], [sflag:s4] =	dma.local [hbm:s3], $0xF7A  }
0x26: {  	[smem:$0x3F9A] =	sst s1;
	(tag) =	ssettag s2;
	_ =	strace s9  }
0x27: {  	s1 =	sld [smem:$0x3FAA]  }
0x28: {  	s2 =	sld [smem:$0x3FAB]  }
0x29: {  	s4 =	sld [smem:$0x3FAD]  }
0x2a: {  	p0 =	seq.s32 s5, $0x0;
	s5 =	sld [smem:$0x3FAE]  }
0x2b: {  	s6 =	sld [smem:$0x3FAF]  }
0x2c: {  	s7 =	sld [smem:$0x3FB0]  }
0x2d: {  	s3 =	simm.s32 $0x108;
	s8 =	sld [smem:$0x3FB1]  }
0x2e: {  	s3 =	simm.s32 @!p0 $0x1082;
	s9 =	sld [smem:$0x3FB2]  }
0x2f: {  	lr =	sadd.s32 s0, s3;
	s0 =	sld [smem:$0x3FA9]  }
0x30: {  	s3 =	sld [smem:$0x3FAC]  }
0x31: {  	[smem:$0x3FB5] =	sst s10  }
0x32: {  	s10 =	sld [smem:$0x3FB3];
	_ =	sdelay $0x3  }
0x33: {  	p0 =	seq.s32 s10, $0x1;
	s10 =	sld [smem:$0x3FB5];
	_ =	sdelay $0x3  }
0x34: {  	[smem:$0x3FB5] =	sst s10  }
0x35: {  	s10 =	sld [smem:$0x3FB4];
	_ =	sdelay $0x3  }
0x36: {  	p1 =	seq.s32 s10, $0x1;
	s10 =	sld [smem:$0x3FB5];
	_ =	sdelay $0x3  }
0x37: {  	[smem:$0x3FB5] =	sst s10  }
0x38: {  	s10 =	sld [smem:$0x3FB6]  }
0x39: {  	_ = 	snop;
	(pc) =	sbr.ind lr, $3  }
0x3a: {  	_ = 	snop  }
0x3b: {  	_ = 	snop  }
0x3c: {  	p2 =	seq.s32 s10, $0x1;
	s10 =	sld [smem:$0x3FB5]  }
0x3d: {  	_ =	shalt  }
0x3e: {  	_ =	shalt  }
0x3f: {  	_ =	shalt  }
0x40: {  	_ =	shalt  }
0x41: {  	_ =	shalt  }
0x42: {  	_ =	shalt  }
0x43: {  	_ =	shalt  }
0x44: {  	_ =	shalt  }
0x45: {  	_ =	shalt  }
0x46: {  	_ =	shalt  }
0x47: {  	_ =	shalt  }
0x48: {  	_ =	shalt  }
0x49: {  	_ =	shalt  }
0x4a: {  	_ =	shalt  }
0x4b: {  	_ =	shalt  }
0x4c: {  	_ =	shalt  }
0x4d: {  	_ =	shalt  }
0x4e: {  	_ =	shalt  }
0x4f: {  	_ =	shalt  }
0x50: {  	_ =	shalt  }
0x51: {  	_ =	shalt  }
0x52: {  	_ =	shalt  }
0x53: {  	_ =	shalt  }
0x54: {  	_ =	shalt  }
0x55: {  	_ =	shalt  }
0x56: {  	_ =	shalt  }
0x57: {  	_ =	shalt  }
0x58: {  	_ =	shalt  }
0x59: {  	_ =	shalt  }
0x5a: {  	_ =	shalt  }
0x5b: {  	_ =	shalt  }
0x5c: {  	_ =	shalt  }
0x5d: {  	_ =	shalt  }
0x5e: {  	_ =	shalt  }
0x5f: {  	_ =	shalt  }
0x60: {  	_ =	shalt  }
0x61: {  	_ =	shalt  }
0x62: {  	_ =	shalt  }
0x63: {  	_ =	shalt  }
0x64: {  	_ =	shalt  }
0x65: {  	_ =	shalt  }
0x66: {  	_ =	shalt  }
0x67: {  	_ =	shalt  }
0x68: {  	_ =	shalt  }
0x69: {  	_ =	shalt  }
0x6a: {  	_ =	shalt  }
0x6b: {  	_ =	shalt  }
0x6c: {  	_ =	shalt  }
0x6d: {  	_ =	shalt  }
0x6e: {  	_ =	shalt  }
0x6f: {  	_ =	shalt  }
0x70: {  	_ =	shalt  }
0x71: {  	_ =	shalt  }
0x72: {  	_ =	shalt  }
0x73: {  	_ =	shalt  }
0x74: {  	_ =	shalt  }
0x75: {  	_ =	shalt  }
0x76: {  	_ =	shalt  }
0x77: {  	_ =	shalt  }
0x78: {  	_ =	shalt  }
0x79: {  	_ =	shalt  }
0x7a: {  	_ =	shalt  }
0x7b: {  	_ =	shalt  }
0x7c: {  	_ =	shalt  }
0x7d: {  	_ =	shalt  }
0x7e: {  	_ =	shalt  }
0x7f: {  	_ =	shalt  }
0x80: {  	_ =	shalt  }
0x81: {  	_ =	shalt  }
0x82: {  	_ =	shalt  }
0x83: {  	_ =	shalt  }
0x84: {  	_ =	shalt  }
0x85: {  	_ =	shalt  }
0x86: {  	_ =	shalt  }
0x87: {  	_ =	shalt  }
.Lfunc_end0:
.L_simem_size_0:
called_computation_lowered:
.L_overlay_start_0:
0x88: {  	s2 =	sld [smem:$0x3FD9]  }
0x89: {  	s3 =	sld [smem:$0x3FFE];
	_ =	sdelay $0x1  }
0x8a: {  	s1 =	srdreg.scid  }
0x8b: {  	s0 =	sand.u32 $0x1, s1  }
0x8c: {  	s14 =	sshll.u32 s0, $0xA;
	s2 =	sadd.s32 s3, s2  }
0x8d: {  	s2 =	sadd.s32 s2, s14  }
0x8e: {  	[smem:$0x3FC1] =	sst s2  }
0x8f: {  	_ = 	snop  }
0x90: {  	s2 =	sld [smem:$0x3FD0];
	_ =	sdelay $0x2  }
0x91: {  	s15 =	simm.s32 $0xA;
	s4 =	simm.s32 $0x10  }
0x92: {  	[smem:s4], [sflag:s15] =	dma.local [hbm:s2], $0x1  }
0x93: {  	_ =	swait.eq [sflag:s15], $0x1  }
0x94: {  	[sflag:s15] =	ssyncset.done $0x0  }
0x95: {  	[sflag:s15] =	ssyncadd.s32 $0xFFFFFFFF  }
0x96: {  	s16 =	sld [smem:$0x11];
	(tm) =	ssettm $0x1  }
0x97: {  	s17 =	sld [smem:$0x3FFB];
	_ =	sdelay $0x3  }
0x98: {  	_ =	strace s17  }
0x99: {  	s3 =	sld [smem:$0x3FFC];
	_ =	sdelay $0x3  }
0x9a: {  	_ =	strace s3  }
0x9b: {  	s3 =	sld [smem:$0x3FFD];
	_ =	sdelay $0x3  }
0x9c: {  	_ =	strace s3  }
0x9d: {  	_ =	strace $0x8FFFFFFF  }
0x9e: {  	s18 =	sld [smem:$0x3FDB];
	_ =	sdelay $0x1  }
0x9f: {  	s19 =	simm.s32 $_scs_section_size  }
0xa0: {  	s5 =	simm.s32 $_size__tile_overlayer_lowered;
	s6 =	simm.s32 $_tile_overlayer_lowered  }
0xa1: {  	s22 =	simm.s32 $0x1BFF;
	s21 =	sshll.u32 s6, $0x1;
	s3 =	sadd.s32 s19, s18  }
0xa2: {  	s7 =	simm.s32 $0x0;
	s20 =	sshll.u32 s5, $0x1;
	s5 =	sadd.s32 s21, s3  }
0xa3: {  	[timem:s7], [sflag:s22] =	dma.local [hbm:s5], s20  }
0xa4: {  	_ =	swait.ge [sflag:s22], s20  }
0xa5: {  	s4 =	ssub.s32 $0x0, s20;
	[sflag:s22] =	ssyncset.done $0x0  }
0xa6: {  	[sflag:s22] =	ssyncadd.s32 s4;
	_ =	sdelay $0x1  }
0xa7: {  	s23 =	simm.s32 $0x1B8B  }
0xa8: {  	_ =	swait.ge [sflag:s23], $0x1  }
0xa9: {  	[sflag:s23] =	ssyncset.done $0x0  }
0xaa: {  	s25 =	simm.s32 $0x1B8E;
	s24 =	sld [smem:$0x3FFE];
	[sflag:s23] =	ssyncadd.s32 $0xFFFFFFFF  }
0xab: {  	s26 =	simm.s32 $execute0_lowered;
	[smem:$0x3FD2] =	sst s25  }
0xac: {  	s5 =	sshll.u32 s26, $0x1;
	_ =	strace $0x80000046;
	[dreg:$0x1] =	wrdreg $0xFFFFFFFF  }
0xad: {  	s28 =	simm.s32 $_size_execute0_lowered;
	s3 =	sadd.s32 s3, s5;
	[dreg:$0x0] =	wrdreg $0x0  }
0xae: {  	s5 =	sshll.u32 s28, $0x1;
	[dreg:$0x2] =	wrdreg s3  }
0xaf: {  	[dreg:$0x3] =	wrdreg s5  }
0xb0: {  	[dreg:$0x4] =	wrdreg $0xC0  }
0xb1: {  	_ =	task [dreg:s7], $0x5FFFF  }
0xb2: {  	[dreg:$0x1] =	wrdreg $0xFFFFFFFF  }
0xb3: {  	[dreg:$0x0] =	wrdreg $0x60  }
0xb4: {  	[dreg:$0x2] =	wrdreg s16  }
0xb5: {  	[dreg:$0x3] =	wrdreg s24  }
0xb6: {  	[dreg:$0x4] =	wrdreg $0x9  }
0xb7: {  	_ =	task.clear_ibuf [dreg:s7], $0x5FFFF;
	_ =	strace $0x90000046  }
0xb8: {  	s29 =	simm.s32 $0x9;
	_ =	strace $0x80000048  }
0xb9: {  	_ =	swait.ge [sflag:s29], $0x1  }
0xba: {  	[sflag:s29] =	ssyncadd.s32 $0xFFFFFFFF  }
0xbb: {  	_ =	strace $0x90000048  }
0xbc: {  	_ =	sfence  }
0xbd: {  	s30 =	sld [smem:$0x0];
	_ =	sdelay $0x2  }
0xbe: {  	s31 =	sshll.u32 s1, $0xD;
	s1 =	sshrl.u32 s1, $0x2  }
0xbf: {  	s3 =	sand.u32 $0x4000, s31;
	s1 =	sadd.s32 s1, s30  }
0xc0: {  	s0 =	sor.u32 s3, s0;
	s1 =	sshll.u32 s1, $0x11  }
0xc1: {  	s0 =	sor.u32 s1, s0  }
0xc2: {  	s0 =	sadd.s32 $0x8F2B, s0  }
0xc3: {  	[sflag:s0] =	ssyncadd.remote.s32 $0x1  }
0xc4: {  	_ =	sfence.sel $0xFFFF  }
0xc5: {  	[dreg:$0x0] =	wrdreg $0xFFFFFFFF;
	(pc) =	sbr.abs _section_cstart, $3  }
0xc6: {  	[dreg:$0x1] =	wrdreg $0xFFFFFFFF  }
0xc7: {  	_ =	task.clear_ibuf [dreg:s7], $0x2FFFF;
	_ =	strace $0x9FFFFFFF  }
0xc8: {  	(tm) =	ssettm $0x7FFFFFFF  }
0xc9: {  	_ =	shalt  }
tec
execute0_lowered:
.L_overlay_start_1:
0x0: {  	(tag) =	ssettag $0x1  }
0x1: {  	s1 =	rddreg [dreg:$0x0]  }
0x2: {  	s5 =	rddreg [dreg:$0x1]  }
0x3: {  	s0 =	rddreg [dreg:$0x2];
	s4 =	srdreg.scid  }
0x4: {  	s3 =	simm.s32 $0x0;
	s2 =	stileid.u32;
	s12 =	simm.s32 $0x2000  }
0x5: {  	s13 =	simm.s32 $0x3080;
	s14 =	simm.s32 $0x4100;
	s15 =	simm.s32 $0x4000  }
0x6: {  	s16 =	simm.s32 $0x80000;
	s17 =	simm.s32 $0x4900;
	s18 =	simm.s32 $0xC900  }
0x7: {  	s19 =	simm.s32 $0x0;
	s8 =	sand.u32 $0x1, s4;
	[smem:$0x7FF] =	sst s3  }
0x8: {  	s28 =	sshll.u32 s2, $0xB;
	s4 =	sadd.s32 $0x1600, s5;
	s10 =	sshll.u32 s2, $0x9  }
0x9: {  	s11 =	sshll.u32 s2, $0x7;
	s6 =	sshll.u32 s8, $0xF;
	_ =	strace $0x80000047  }
0xa: {  	s7 =	ssub.s32 $0x2, s8;
	s30 =	sshll.u32 s8, $0xD;
	s6 =	sor.u32 s28, s6  }
0xb: {  	s31 =	sshll.u32 s8, $0xB;
	s29 =	sshrl.u32 s7, $0x1;
	s6 =	sadd.s32 s6, s5  }
0xc: {  	v0 =	vimm.f32 $3.000000110e+37;
	s9 =	ssub.s32 s7, s29;
	s7 =	sor.u32 s10, s30;
	s10 =	sor.u32 s11, s31  }
0xd: {  	v1 =	vlaneseq.u32;
	v2 =	vimm.s32 $0x400000;
	v4 =	vimm.s32 $0x2;
	s11 =	simm.s32 $0x1;
	s5 =	sadd.s32 $0x1800, s6;
	s7 =	sshrl.u32 s7, $0x2  }
0xe: {  	v5 =	vimm.s32 $0x1;
	v6 =	vimm.s32 $0x0;
	v3 =	vmul.u32 $0x10, v1;
	s6 =	sadd.s32 $0x21800, s6;
	s8 =	smax.u32 s9, $0x1;
	s9 =	sor.u32 $0x1000, s7  }
.LBB2_1:
0xf: {  	[tilespmem:s3], [sflag:$0x1] =	stream.linear.gather [hbm4b:s1+s3], $0x1000, $0x38;
	[tilespmem:$0x14900] =	vst v63  }
0x10: {  	_ =	swait.ge [sflag:s11], $0x1000  }
0x11: {  	[sflag:s11] =	ssyncset.done $0x0  }
0x12: {  	s20 =	simm.s32 $0x1000;
	[sflag:s11] =	ssyncadd.s32 $0xFFFFF000  }
0x13: {  	[tilespmem:s20], [sflag:$0x1] =	stream.linear.gather [hbm4b:s4+s3], $0x1000, $0x38;
	[tilespmem:$0x14900] =	vst v63  }
0x14: {  	_ =	swait.ge [sflag:s11], $0x1000  }
0x15: {  	[sflag:s11] =	ssyncset.done $0x0  }
0x16: {  	[sflag:s11] =	ssyncadd.s32 $0xFFFFF000  }
0x17: {  	[tilespmem:$0x2000] =	vst v0  }
0x18: {  	[tilespmem:$0x3010] =	vst v0  }
0x19: {  	[tilespmem:$0x3080] =	vst v2  }
0x1a: {  	[tilespmem:$0x4090] =	vst v2  }
0x1b: {  	v7 =	vld [tilespmem:s20+$0x0];
	_ =	sdelay $0x4  }
0x1c: {  	v8 =	vld [tilespmem:s3+$0x0];
	v7 =	vadd.s32 $0x10, v7;
	_ =	sdelay $0x4  }
0x1d: {  	[tilespmem:v7+s12+$0x0] =	vst.idx.msk $0xffff, v8;
	v8 =	vor.u32 s3, v1  }
0x1e: {  	s21 =	simm.s32 $0x1010;
	[tilespmem:v7+s13+$0x0] =	vst.idx.msk $0xffff, v8  }
0x1f: {  	v7 =	vld [tilespmem:s21+$0x0]  }
0x20: {  	s23 =	simm.s32 $0x20;
	s22 =	simm.s32 $0x0;
	s20 =	simm.s32 $0x10  }
.LBB2_2:
0x21: {  	p0 =	sne.s32 s23, $0xFF0;
	_ =	sdelay $0x1  }
0x22: {  	s22 =	sadd.s32 $0x10, s22  }
0x23: {  	v7 =	vadd.s32 $0x10, v7;
	v8 =	vld [tilespmem:s22+$0x0];
	_ =	sdelay $0x3  }
.Ltmp0:
0x24: {  	(pc) =	sbr.rel @p0 .LBB2_2-.Ltmp0, $4  }
0x25: {  	[tilespmem:v7+s12+$0x0] =	vst.idx.msk $0xffff, v8;
	v8 =	vor.u32 s20, v1;
	s20 =	smov.u32 s23  }
0x26: {  	s21 =	sadd.s32 $0x10, s21;
	[tilespmem:v7+s13+$0x0] =	vst.idx.msk $0xffff, v8  }
0x27: {  	v7 =	vld [tilespmem:s21+$0x0]  }
0x28: {  	s23 =	sadd.s32 $0x10, s23  }
0x29: {  	_ =	sdelay $0x1  }
0x2a: {  	s21 =	sadd.s32 $0x10, s22  }
0x2b: {  	v8 =	vld [tilespmem:s21+$0x0];
	v7 =	vadd.s32 $0x10, v7;
	_ =	sdelay $0x4  }
0x2c: {  	s22 =	smov.u32 s7;
	[tilespmem:v7+s12+$0x0] =	vst.idx.msk $0xffff, v8;
	v8 =	vor.u32 s20, v1  }
0x2d: {  	s23 =	simm.s32 $0x0;
	s21 =	smov.u32 s9;
	s20 =	simm.s32 $0x0;
	[tilespmem:v7+s13+$0x0] =	vst.idx.msk $0xffff, v8  }
.LBB2_4:
0x2e: {  	v8 =	vld [tilespmem:s21+$0x0];
	_ =	sdelay $0x4  }
0x2f: {  	v9 =	vadd.s32 $0xF, v8  }
0x30: {  	v10 =	vadd.s32 $0x11, v8;
	_ =	sdelay $0x2  }
0x31: {  	v7 =	vld [tilespmem:s22+$0x0]  }
0x32: {  	v11 =	vld.idx.msk [tilespmem:v9+s12+$0x0], $0xffff  }
0x33: {  	v12 =	vld.idx.msk [tilespmem:v10+s12+$0x0], $0xffff;
	_ =	sdelay $0x1  }
0x34: {  	v13 =	vld.idx.msk [tilespmem:v9+s13+$0x0], $0xffff  }
0x35: {  	v10 =	vld.idx.msk [tilespmem:v10+s13+$0x0], $0xffff;
	_ =	sdelay $0x1  }
0x36: {  	v54 =	vsub.f32 v7, v11;
	v55 =	vsub.f32 v7, v12;
	_ =	sdelay $0x1  }
0x37: {  	v9 =	vand.u32 $0x7FFFFFFF, v54;
	v11 =	vand.u32 $0x7FFFFFFF, v55  }
0x38: {  	vm2 =	vge.s32 v13, v10;
	vm0 =	vlt.f32 v9, v11;
	vm1 =	vne.f32 v9, v11  }
0x39: {  	v56 =	vmov s23;
	vm0 =	vmneg vm0;
	vm1 =	vmor vm2, vm1  }
0x3a: {  	v57 =	vshll.u32 v56, $0x4;
	vm0 =	vmand vm0, vm1  }
0x3b: {  	v9 =	vadd.s32 $0x10, v8;
	v8 =	vor.u32 v3, v57;
	v58 =	vsel vm0, $0x1, v4  }
0x3c: {  	v59 =	vsel vm0, $0x2, v5;
	v14 =	vsub.s32 v9, v58  }
0x3d: {  	v12 =	vadd.s32 v9, v59;
	_ =	sdelay $0x1  }
0x3e: {  	v10 =	vsel vm0, v10, v13  }
0x3f: {  	[tilespmem:v8+s14+$0x0] =	vst.idx.msk $0xffff, v10  }
0x40: {  	v10 =	vld.idx.msk [tilespmem:v14+s12+$0x0], $0xffff  }
0x41: {  	v60 =	vld.idx.msk [tilespmem:v12+s12+$0x0], $0xffff;
	_ =	sdelay $0x1  }
0x42: {  	v14 =	vld.idx.msk [tilespmem:v14+s13+$0x0], $0xffff  }
0x43: {  	v15 =	vld.idx.msk [tilespmem:v12+s13+$0x0], $0xffff;
	_ =	sdelay $0x1  }
0x44: {  	v10 =	vsub.f32 v7, v10;
	v13 =	vsub.f32 v7, v60;
	_ =	sdelay $0x1  }
0x45: {  	v10 =	vand.u32 $0x7FFFFFFF, v10;
	v13 =	vand.u32 $0x7FFFFFFF, v13  }
0x46: {  	vm6 =	vlt.s32 v14, v15;
	vm5 =	veq.f32 v10, v13  }
0x47: {  	vm7 =	vlt.f32 v10, v13;
	vm0 =	vmand vm6, vm5  }
0x48: {  	vm0 =	vmor vm7, vm0  }
0x49: {  	v61 =	vsel vm0, $0x1, v6  }
0x4a: {  	v62 =	vor.u32 $0x1, v8;
	vm8 =	vmneg vm0;
	v10 =	vadd.s32 v61, v58  }
0x4b: {  	v63 =	vsel vm8, $0x1, v6;
	v16 =	vsub.s32 v9, v10  }
0x4c: {  	v11 =	vadd.s32 v63, v12;
	_ =	sdelay $0x1  }
0x4d: {  	v19 =	vsel vm0, v14, v15  }
0x4e: {  	[tilespmem:v62+s14+$0x0] =	vst.idx.msk $0xffff, v19  }
0x4f: {  	v12 =	vld.idx.msk [tilespmem:v16+s12+$0x0], $0xffff  }
0x50: {  	v13 =	vld.idx.msk [tilespmem:v11+s12+$0x0], $0xffff;
	_ =	sdelay $0x1  }
0x51: {  	v20 =	vld.idx.msk [tilespmem:v16+s13+$0x0], $0xffff  }
0x52: {  	v21 =	vld.idx.msk [tilespmem:v11+s13+$0x0], $0xffff;
	_ =	sdelay $0x1  }
0x53: {  	v12 =	vsub.f32 v7, v12;
	v13 =	vsub.f32 v7, v13;
	_ =	sdelay $0x1  }
0x54: {  	v12 =	vand.u32 $0x7FFFFFFF, v12;
	v13 =	vand.u32 $0x7FFFFFFF, v13  }
0x55: {  	vm10 =	vlt.s32 v20, v21;
	vm9 =	veq.f32 v12, v13  }
0x56: {  	vm11 =	vlt.f32 v12, v13;
	vm0 =	vmand vm10, vm9  }
0x57: {  	vm0 =	vmor vm11, vm0  }
0x58: {  	v22 =	vsel vm0, $0x1, v6  }
0x59: {  	v23 =	vor.u32 $0x2, v8;
	vm12 =	vmneg vm0;
	v10 =	vadd.s32 v22, v10  }
0x5a: {  	v24 =	vsel vm12, $0x1, v6;
	v25 =	vsub.s32 v9, v10  }
0x5b: {  	v11 =	vadd.s32 v24, v11;
	_ =	sdelay $0x1  }
0x5c: {  	v26 =	vsel vm0, v20, v21  }
0x5d: {  	[tilespmem:v23+s14+$0x0] =	vst.idx.msk $0xffff, v26  }
0x5e: {  	v12 =	vld.idx.msk [tilespmem:v25+s12+$0x0], $0xffff  }
0x5f: {  	v13 =	vld.idx.msk [tilespmem:v11+s12+$0x0], $0xffff;
	_ =	sdelay $0x1  }
0x60: {  	v27 =	vld.idx.msk [tilespmem:v25+s13+$0x0], $0xffff  }
0x61: {  	v28 =	vld.idx.msk [tilespmem:v11+s13+$0x0], $0xffff;
	_ =	sdelay $0x1  }
0x62: {  	v12 =	vsub.f32 v7, v12;
	v13 =	vsub.f32 v7, v13;
	_ =	sdelay $0x1  }
0x63: {  	v12 =	vand.u32 $0x7FFFFFFF, v12;
	v13 =	vand.u32 $0x7FFFFFFF, v13  }
0x64: {  	vm14 =	vlt.s32 v27, v28;
	vm13 =	veq.f32 v12, v13  }
0x65: {  	vm15 =	vlt.f32 v12, v13;
	vm0 =	vmand vm14, vm13  }
0x66: {  	vm0 =	vmor vm15, vm0  }
0x67: {  	v29 =	vsel vm0, $0x1, v6  }
0x68: {  	v30 =	vor.u32 $0x3, v8;
	vm4 =	vmneg vm0;
	v10 =	vadd.s32 v29, v10  }
0x69: {  	v31 =	vsel vm4, $0x1, v6;
	v32 =	vsub.s32 v9, v10  }
0x6a: {  	v11 =	vadd.s32 v31, v11;
	_ =	sdelay $0x1  }
0x6b: {  	v33 =	vsel vm0, v27, v28  }
0x6c: {  	[tilespmem:v30+s14+$0x0] =	vst.idx.msk $0xffff, v33  }
0x6d: {  	v12 =	vld.idx.msk [tilespmem:v32+s12+$0x0], $0xffff  }
0x6e: {  	v13 =	vld.idx.msk [tilespmem:v11+s12+$0x0], $0xffff;
	_ =	sdelay $0x1  }
0x6f: {  	v34 =	vld.idx.msk [tilespmem:v32+s13+$0x0], $0xffff  }
0x70: {  	v35 =	vld.idx.msk [tilespmem:v11+s13+$0x0], $0xffff;
	_ =	sdelay $0x1  }
0x71: {  	v12 =	vsub.f32 v7, v12;
	v13 =	vsub.f32 v7, v13;
	_ =	sdelay $0x1  }
0x72: {  	v12 =	vand.u32 $0x7FFFFFFF, v12;
	v13 =	vand.u32 $0x7FFFFFFF, v13  }
0x73: {  	vm6 =	vlt.s32 v34, v35;
	vm5 =	veq.f32 v12, v13  }
0x74: {  	vm7 =	vlt.f32 v12, v13;
	vm0 =	vmand vm6, vm5  }
0x75: {  	vm0 =	vmor vm7, vm0  }
0x76: {  	v36 =	vsel vm0, $0x1, v6  }
0x77: {  	v37 =	vor.u32 $0x4, v8;
	vm8 =	vmneg vm0;
	v10 =	vadd.s32 v36, v10  }
0x78: {  	v38 =	vsel vm8, $0x1, v6;
	v39 =	vsub.s32 v9, v10  }
0x79: {  	v11 =	vadd.s32 v38, v11;
	_ =	sdelay $0x1  }
0x7a: {  	v40 =	vsel vm0, v34, v35  }
0x7b: {  	[tilespmem:v37+s14+$0x0] =	vst.idx.msk $0xffff, v40  }
0x7c: {  	v12 =	vld.idx.msk [tilespmem:v39+s12+$0x0], $0xffff  }
0x7d: {  	v13 =	vld.idx.msk [tilespmem:v11+s12+$0x0], $0xffff;
	_ =	sdelay $0x1  }
0x7e: {  	v41 =	vld.idx.msk [tilespmem:v39+s13+$0x0], $0xffff  }
0x7f: {  	v42 =	vld.idx.msk [tilespmem:v11+s13+$0x0], $0xffff;
	_ =	sdelay $0x1  }
0x80: {  	v12 =	vsub.f32 v7, v12;
	v13 =	vsub.f32 v7, v13;
	_ =	sdelay $0x1  }
0x81: {  	v12 =	vand.u32 $0x7FFFFFFF, v12;
	v13 =	vand.u32 $0x7FFFFFFF, v13  }
0x82: {  	vm10 =	vlt.s32 v41, v42;
	vm9 =	veq.f32 v12, v13  }
0x83: {  	vm11 =	vlt.f32 v12, v13;
	vm0 =	vmand vm10, vm9  }
0x84: {  	vm0 =	vmor vm11, vm0  }
0x85: {  	v43 =	vsel vm0, $0x1, v6  }
0x86: {  	v44 =	vor.u32 $0x5, v8;
	vm12 =	vmneg vm0;
	v10 =	vadd.s32 v43, v10  }
0x87: {  	v45 =	vsel vm12, $0x1, v6;
	v46 =	vsub.s32 v9, v10  }
0x88: {  	v11 =	vadd.s32 v45, v11;
	_ =	sdelay $0x1  }
0x89: {  	v47 =	vsel vm0, v41, v42  }
0x8a: {  	[tilespmem:v44+s14+$0x0] =	vst.idx.msk $0xffff, v47  }
0x8b: {  	v12 =	vld.idx.msk [tilespmem:v46+s12+$0x0], $0xffff  }
0x8c: {  	v13 =	vld.idx.msk [tilespmem:v11+s12+$0x0], $0xffff;
	_ =	sdelay $0x1  }
0x8d: {  	v48 =	vld.idx.msk [tilespmem:v46+s13+$0x0], $0xffff  }
0x8e: {  	v49 =	vld.idx.msk [tilespmem:v11+s13+$0x0], $0xffff;
	_ =	sdelay $0x1  }
0x8f: {  	v12 =	vsub.f32 v7, v12;
	v13 =	vsub.f32 v7, v13;
	_ =	sdelay $0x1  }
0x90: {  	v12 =	vand.u32 $0x7FFFFFFF, v12;
	v13 =	vand.u32 $0x7FFFFFFF, v13  }
0x91: {  	vm14 =	vlt.s32 v48, v49;
	vm13 =	veq.f32 v12, v13  }
0x92: {  	vm15 =	vlt.f32 v12, v13;
	vm0 =	vmand vm14, vm13  }
0x93: {  	vm0 =	vmor vm15, vm0  }
0x94: {  	v50 =	vsel vm0, $0x1, v6  }
0x95: {  	v51 =	vor.u32 $0x6, v8;
	vm4 =	vmneg vm0;
	v10 =	vadd.s32 v50, v10  }
0x96: {  	v52 =	vsel vm4, $0x1, v6;
	v53 =	vsub.s32 v9, v10  }
0x97: {  	v11 =	vadd.s32 v52, v11;
	_ =	sdelay $0x1  }
0x98: {  	v54 =	vsel vm0, v48, v49  }
0x99: {  	[tilespmem:v51+s14+$0x0] =	vst.idx.msk $0xffff, v54  }
0x9a: {  	v12 =	vld.idx.msk [tilespmem:v53+s12+$0x0], $0xffff  }
0x9b: {  	v13 =	vld.idx.msk [tilespmem:v11+s12+$0x0], $0xffff;
	_ =	sdelay $0x1  }
0x9c: {  	v55 =	vld.idx.msk [tilespmem:v53+s13+$0x0], $0xffff  }
0x9d: {  	v56 =	vld.idx.msk [tilespmem:v11+s13+$0x0], $0xffff;
	_ =	sdelay $0x1  }
0x9e: {  	v12 =	vsub.f32 v7, v12;
	v13 =	vsub.f32 v7, v13;
	_ =	sdelay $0x1  }
0x9f: {  	v12 =	vand.u32 $0x7FFFFFFF, v12;
	v13 =	vand.u32 $0x7FFFFFFF, v13  }
0xa0: {  	vm6 =	vlt.s32 v55, v56;
	vm5 =	veq.f32 v12, v13  }
0xa1: {  	vm7 =	vlt.f32 v12, v13;
	vm0 =	vmand vm6, vm5  }
0xa2: {  	vm0 =	vmor vm7, vm0  }
0xa3: {  	v57 =	vsel vm0, $0x1, v6  }
0xa4: {  	v58 =	vor.u32 $0x7, v8;
	vm8 =	vmneg vm0;
	v10 =	vadd.s32 v57, v10  }
0xa5: {  	v59 =	vsel vm8, $0x1, v6;
	v60 =	vsub.s32 v9, v10  }
0xa6: {  	v11 =	vadd.s32 v59, v11;
	_ =	sdelay $0x1  }
0xa7: {  	v61 =	vsel vm0, v55, v56  }
0xa8: {  	[tilespmem:v58+s14+$0x0] =	vst.idx.msk $0xffff, v61  }
0xa9: {  	v12 =	vld.idx.msk [tilespmem:v60+s12+$0x0], $0xffff  }
0xaa: {  	v13 =	vld.idx.msk [tilespmem:v11+s12+$0x0], $0xffff;
	_ =	sdelay $0x1  }
0xab: {  	v62 =	vld.idx.msk [tilespmem:v60+s13+$0x0], $0xffff  }
0xac: {  	v63 =	vld.idx.msk [tilespmem:v11+s13+$0x0], $0xffff;
	_ =	sdelay $0x1  }
0xad: {  	v12 =	vsub.f32 v7, v12;
	v13 =	vsub.f32 v7, v13;
	_ =	sdelay $0x1  }
0xae: {  	v12 =	vand.u32 $0x7FFFFFFF, v12;
	v13 =	vand.u32 $0x7FFFFFFF, v13  }
0xaf: {  	vm10 =	vlt.s32 v62, v63;
	vm9 =	veq.f32 v12, v13  }
0xb0: {  	vm11 =	vlt.f32 v12, v13;
	vm0 =	vmand vm10, vm9  }
0xb1: {  	vm0 =	vmor vm11, vm0  }
0xb2: {  	v19 =	vsel vm0, $0x1, v6  }
0xb3: {  	v20 =	vor.u32 $0x8, v8;
	vm12 =	vmneg vm0;
	v10 =	vadd.s32 v19, v10  }
0xb4: {  	v21 =	vsel vm12, $0x1, v6;
	v22 =	vsub.s32 v9, v10  }
0xb5: {  	v11 =	vadd.s32 v21, v11;
	_ =	sdelay $0x1  }
0xb6: {  	v23 =	vsel vm0, v62, v63  }
0xb7: {  	[tilespmem:v20+s14+$0x0] =	vst.idx.msk $0xffff, v23  }
0xb8: {  	v12 =	vld.idx.msk [tilespmem:v22+s12+$0x0], $0xffff  }
0xb9: {  	v13 =	vld.idx.msk [tilespmem:v11+s12+$0x0], $0xffff;
	_ =	sdelay $0x1  }
0xba: {  	v24 =	vld.idx.msk [tilespmem:v22+s13+$0x0], $0xffff  }
0xbb: {  	v25 =	vld.idx.msk [tilespmem:v11+s13+$0x0], $0xffff;
	_ =	sdelay $0x1  }
0xbc: {  	v12 =	vsub.f32 v7, v12;
	v13 =	vsub.f32 v7, v13;
	_ =	sdelay $0x1  }
0xbd: {  	v12 =	vand.u32 $0x7FFFFFFF, v12;
	v13 =	vand.u32 $0x7FFFFFFF, v13  }
0xbe: {  	vm14 =	vlt.s32 v24, v25;
	vm13 =	veq.f32 v12, v13  }
0xbf: {  	vm15 =	vlt.f32 v12, v13;
	vm0 =	vmand vm14, vm13  }
0xc0: {  	vm0 =	vmor vm15, vm0  }
0xc1: {  	v26 =	vsel vm0, $0x1, v6  }
0xc2: {  	v27 =	vor.u32 $0x9, v8;
	vm4 =	vmneg vm0;
	v10 =	vadd.s32 v26, v10  }
0xc3: {  	v28 =	vsel vm4, $0x1, v6;
	v29 =	vsub.s32 v9, v10  }
0xc4: {  	v11 =	vadd.s32 v28, v11;
	_ =	sdelay $0x1  }
0xc5: {  	v30 =	vsel vm0, v24, v25  }
0xc6: {  	[tilespmem:v27+s14+$0x0] =	vst.idx.msk $0xffff, v30  }
0xc7: {  	v12 =	vld.idx.msk [tilespmem:v29+s12+$0x0], $0xffff  }
0xc8: {  	v13 =	vld.idx.msk [tilespmem:v11+s12+$0x0], $0xffff;
	_ =	sdelay $0x1  }
0xc9: {  	v31 =	vld.idx.msk [tilespmem:v29+s13+$0x0], $0xffff  }
0xca: {  	v32 =	vld.idx.msk [tilespmem:v11+s13+$0x0], $0xffff;
	_ =	sdelay $0x1  }
0xcb: {  	v12 =	vsub.f32 v7, v12;
	v13 =	vsub.f32 v7, v13;
	_ =	sdelay $0x1  }
0xcc: {  	v12 =	vand.u32 $0x7FFFFFFF, v12;
	v13 =	vand.u32 $0x7FFFFFFF, v13  }
0xcd: {  	vm6 =	vlt.s32 v31, v32;
	vm5 =	veq.f32 v12, v13  }
0xce: {  	vm7 =	vlt.f32 v12, v13;
	vm0 =	vmand vm6, vm5  }
0xcf: {  	vm0 =	vmor vm7, vm0  }
0xd0: {  	v33 =	vsel vm0, $0x1, v6  }
0xd1: {  	v34 =	vor.u32 $0xA, v8;
	vm8 =	vmneg vm0;
	v10 =	vadd.s32 v33, v10  }
0xd2: {  	v35 =	vsel vm8, $0x1, v6;
	v36 =	vsub.s32 v9, v10  }
0xd3: {  	v11 =	vadd.s32 v35, v11;
	_ =	sdelay $0x1  }
0xd4: {  	v37 =	vsel vm0, v31, v32  }
0xd5: {  	[tilespmem:v34+s14+$0x0] =	vst.idx.msk $0xffff, v37  }
0xd6: {  	v12 =	vld.idx.msk [tilespmem:v36+s12+$0x0], $0xffff  }
0xd7: {  	v13 =	vld.idx.msk [tilespmem:v11+s12+$0x0], $0xffff;
	_ =	sdelay $0x1  }
0xd8: {  	v38 =	vld.idx.msk [tilespmem:v36+s13+$0x0], $0xffff  }
0xd9: {  	v39 =	vld.idx.msk [tilespmem:v11+s13+$0x0], $0xffff;
	_ =	sdelay $0x1  }
0xda: {  	v12 =	vsub.f32 v7, v12;
	v13 =	vsub.f32 v7, v13;
	_ =	sdelay $0x1  }
0xdb: {  	v12 =	vand.u32 $0x7FFFFFFF, v12;
	v13 =	vand.u32 $0x7FFFFFFF, v13  }
0xdc: {  	vm10 =	vlt.s32 v38, v39;
	vm9 =	veq.f32 v12, v13  }
0xdd: {  	vm11 =	vlt.f32 v12, v13;
	vm0 =	vmand vm10, vm9  }
0xde: {  	vm0 =	vmor vm11, vm0  }
0xdf: {  	v40 =	vsel vm0, $0x1, v6  }
0xe0: {  	v41 =	vor.u32 $0xB, v8;
	vm12 =	vmneg vm0;
	v10 =	vadd.s32 v40, v10  }
0xe1: {  	v42 =	vsel vm12, $0x1, v6;
	v43 =	vsub.s32 v9, v10  }
0xe2: {  	v11 =	vadd.s32 v42, v11;
	_ =	sdelay $0x1  }
0xe3: {  	v44 =	vsel vm0, v38, v39  }
0xe4: {  	[tilespmem:v41+s14+$0x0] =	vst.idx.msk $0xffff, v44  }
0xe5: {  	v12 =	vld.idx.msk [tilespmem:v43+s12+$0x0], $0xffff  }
0xe6: {  	v13 =	vld.idx.msk [tilespmem:v11+s12+$0x0], $0xffff;
	_ =	sdelay $0x1  }
0xe7: {  	v45 =	vld.idx.msk [tilespmem:v43+s13+$0x0], $0xffff  }
0xe8: {  	v46 =	vld.idx.msk [tilespmem:v11+s13+$0x0], $0xffff;
	_ =	sdelay $0x1  }
0xe9: {  	v12 =	vsub.f32 v7, v12;
	v13 =	vsub.f32 v7, v13;
	_ =	sdelay $0x1  }
0xea: {  	v12 =	vand.u32 $0x7FFFFFFF, v12;
	v13 =	vand.u32 $0x7FFFFFFF, v13  }
0xeb: {  	vm14 =	vlt.s32 v45, v46;
	vm13 =	veq.f32 v12, v13  }
0xec: {  	vm15 =	vlt.f32 v12, v13;
	vm0 =	vmand vm14, vm13  }
0xed: {  	vm0 =	vmor vm15, vm0  }
0xee: {  	v47 =	vsel vm0, $0x1, v6  }
0xef: {  	v48 =	vor.u32 $0xC, v8;
	vm4 =	vmneg vm0;
	v10 =	vadd.s32 v47, v10  }
0xf0: {  	v49 =	vsel vm4, $0x1, v6;
	v50 =	vsub.s32 v9, v10  }
0xf1: {  	v11 =	vadd.s32 v49, v11;
	_ =	sdelay $0x1  }
0xf2: {  	v51 =	vsel vm0, v45, v46  }
0xf3: {  	[tilespmem:v48+s14+$0x0] =	vst.idx.msk $0xffff, v51  }
0xf4: {  	v12 =	vld.idx.msk [tilespmem:v50+s12+$0x0], $0xffff  }
0xf5: {  	v13 =	vld.idx.msk [tilespmem:v11+s12+$0x0], $0xffff;
	_ =	sdelay $0x1  }
0xf6: {  	v52 =	vld.idx.msk [tilespmem:v50+s13+$0x0], $0xffff  }
0xf7: {  	v53 =	vld.idx.msk [tilespmem:v11+s13+$0x0], $0xffff;
	_ =	sdelay $0x1  }
0xf8: {  	v12 =	vsub.f32 v7, v12;
	v13 =	vsub.f32 v7, v13;
	_ =	sdelay $0x1  }
0xf9: {  	v12 =	vand.u32 $0x7FFFFFFF, v12;
	v13 =	vand.u32 $0x7FFFFFFF, v13  }
0xfa: {  	vm6 =	vlt.s32 v52, v53;
	vm5 =	veq.f32 v12, v13  }
0xfb: {  	vm7 =	vlt.f32 v12, v13;
	vm0 =	vmand vm6, vm5  }
0xfc: {  	vm0 =	vmor vm7, vm0  }
0xfd: {  	v54 =	vsel vm0, $0x1, v6  }
0xfe: {  	v55 =	vor.u32 $0xD, v8;
	vm8 =	vmneg vm0;
	v10 =	vadd.s32 v54, v10  }
0xff: {  	v56 =	vsel vm8, $0x1, v6;
	v9 =	vsub.s32 v9, v10  }
0x100: {  	v57 =	vadd.s32 v56, v11;
	_ =	sdelay $0x1  }
0x101: {  	v58 =	vsel vm0, v52, v53  }
0x102: {  	[tilespmem:v55+s14+$0x0] =	vst.idx.msk $0xffff, v58  }
0x103: {  	v11 =	vld.idx.msk [tilespmem:v9+s12+$0x0], $0xffff  }
0x104: {  	v12 =	vld.idx.msk [tilespmem:v57+s12+$0x0], $0xffff;
	_ =	sdelay $0x1  }
0x105: {  	v13 =	vld.idx.msk [tilespmem:v9+s13+$0x0], $0xffff  }
0x106: {  	v59 =	vld.idx.msk [tilespmem:v57+s13+$0x0], $0xffff;
	_ =	sdelay $0x1  }
0x107: {  	v11 =	vsub.f32 v7, v11;
	v12 =	vsub.f32 v7, v12;
	_ =	sdelay $0x1  }
0x108: {  	v11 =	vand.u32 $0x7FFFFFFF, v11;
	v12 =	vand.u32 $0x7FFFFFFF, v12  }
0x109: {  	vm10 =	vlt.s32 v13, v59;
	vm9 =	veq.f32 v11, v12  }
0x10a: {  	vm11 =	vlt.f32 v11, v12;
	vm0 =	vmand vm10, vm9  }
0x10b: {  	vm0 =	vmor vm11, vm0  }
0x10c: {  	v60 =	vor.u32 $0xE, v8;
	v61 =	vsel vm0, $0xFFFFFFFF, v6;
	vm12 =	vmneg vm0  }
0x10d: {  	v62 =	vsel vm12, $0x1, v6;
	v9 =	vadd.s32 v61, v9  }
0x10e: {  	v10 =	vadd.s32 v62, v57;
	_ =	sdelay $0x1  }
0x10f: {  	v63 =	vsel vm0, v13, v59  }
0x110: {  	[tilespmem:v60+s14+$0x0] =	vst.idx.msk $0xffff, v63  }
0x111: {  	v11 =	vld.idx.msk [tilespmem:v9+s12+$0x0], $0xffff  }
0x112: {  	v12 =	vld.idx.msk [tilespmem:v10+s12+$0x0], $0xffff;
	_ =	sdelay $0x1  }
0x113: {  	v9 =	vld.idx.msk [tilespmem:v9+s13+$0x0], $0xffff  }
0x114: {  	v10 =	vld.idx.msk [tilespmem:v10+s13+$0x0], $0xffff;
	_ =	sdelay $0x1  }
0x115: {  	v11 =	vsub.f32 v7, v11;
	v7 =	vsub.f32 v7, v12;
	_ =	sdelay $0x1  }
0x116: {  	p0 =	sne.s32 s23, $0x70;
	v8 =	vor.u32 $0xF, v8;
	v11 =	vand.u32 $0x7FFFFFFF, v11;
	v7 =	vand.u32 $0x7FFFFFFF, v7  }
.Ltmp1:
0x117: {  	vm14 =	vlt.s32 v9, v10;
	vm13 =	veq.f32 v11, v7;
	(pc) =	sbr.rel @p0 .LBB2_4-.Ltmp1, $4  }
0x118: {  	vm15 =	vlt.f32 v11, v7;
	vm0 =	vmand vm14, vm13  }
0x119: {  	vm0 =	vmor vm15, vm0  }
0x11a: {  	v7 =	vsel vm0, v9, v10  }
0x11b: {  	s22 =	sadd.s32 $0x10, s22;
	s21 =	sadd.s32 $0x10, s21;
	s23 =	sadd.s32 $0x10, s23;
	[tilespmem:v8+s14+$0x0] =	vst.idx.msk $0xffff, v7  }
0x11c: {  	s21 =	smov.u32 s10  }
.LBB2_6:
0x11d: {  	s22 =	sshll.u32 s20, $0xB;
	s23 =	sshll.u32 s20, $0x7  }
0x11e: {  	s24 =	sand.u32 $0x4000, s22;
	s23 =	sand.u32 $0x380, s23;
	s22 =	simm.s32 $0x0  }
0x11f: {  	s23 =	sor.u32 s24, s23;
	s25 =	sand.u32 $0x3C00, s22  }
0x120: {  	s26 =	sand.u32 $0x70, s22;
	s25 =	sor.u32 s25, s23  }
0x121: {  	s28 =	sshll.u32 s20, $0xC;
	v9 =	vmov s21;
	s24 =	simm.s32 $0x4100;
	s25 =	sor.u32 s26, s25  }
0x122: {  	v7 =	vmov s28;
	s28 =	smov.u32 s21;
	v8 =	vld [tilespmem:s24+$0x0];
	s26 =	simm.s32 $0x10;
	[tilespmem:s25+$0xC900] =	vst v9  }
.LBB2_7:
0x123: {  	p0 =	sne.s32 s26, $0x7F0;
	_ =	sdelay $0x1  }
.Ltmp2:
0x124: {  	s22 =	sadd.s32 $0x80, s22;
	(pc) =	sbr.rel @p0 .LBB2_7-.Ltmp2, $4  }
0x125: {  	s29 =	sand.u32 $0x3C00, s22  }
0x126: {  	s30 =	sand.u32 $0x70, s26;
	s28 =	sadd.s32 $0x1, s28;
	s29 =	sor.u32 s29, s23;
	v8 =	vadd.s32 v7, v8  }
0x127: {  	s24 =	sadd.s32 $0x10, s24;
	v9 =	vmov s28;
	[tilespmem:s25+$0x4900] =	vst v8;
	s25 =	sor.u32 s30, s29  }
0x128: {  	s26 =	sadd.s32 $0x10, s26;
	v8 =	vld [tilespmem:s24+$0x0];
	[tilespmem:s25+$0xC900] =	vst v9  }
0x129: {  	s20 =	sadd.s32 $0x1, s20  }
0x12a: {  	p0 =	sne.s32 s20, $0x10  }
.Ltmp3:
0x12b: {  	_ = 	snop;
	(pc) =	sbr.rel @p0 .LBB2_6-.Ltmp3, $3  }
0x12c: {  	_ =	sdelay $0x1  }
0x12d: {  	v7 =	vadd.s32 v7, v8  }
0x12e: {  	s21 =	sadd.s32 $0x1000, s21;
	[tilespmem:s25+$0x4900] =	vst v7  }
0x12f: {  	[hbm4b:s5+s15] =	stream.strided.scatter [tilespmem:s17], [sflag:$0x1], $0x8000, s16, s15, $0x38;
	[tilespmem:$0x14900] =	vst v63  }
0x130: {  	s19 =	sadd.s32 $0x1, s19;
	_ =	swait.ge [sflag:s11], $0x8000  }
0x131: {  	p0 =	sne.s32 s19, s8;
	[sflag:s11] =	ssyncset.done $0x0  }
.Ltmp4:
0x132: {  	[sflag:s11] =	ssyncadd.s32 $0xFFFF8000;
	(pc) =	sbr.rel @p0 .LBB2_1-.Ltmp4, $4  }
0x133: {  	[hbm4b:s6+s15] =	stream.strided.scatter [tilespmem:s18], [sflag:$0x1], $0x8000, s16, s15, $0x38;
	[tilespmem:$0x14900] =	vst v63  }
0x134: {  	_ =	swait.ge [sflag:s11], $0x8000  }
0x135: {  	[sflag:s11] =	ssyncset.done $0x0  }
0x136: {  	[sflag:s11] =	ssyncadd.s32 $0xFFFF8000  }
0x137: {  	_ =	sfence.sel $0x180000  }
0x138: {  	[bflag:$0x0] =	sbarrier.arrive $0xFFFF  }
0x139: {  	p0 =	sne.s32 s2, $0x0;
	_ =	strace $0x90000047  }
0x13a: {  	s0 =	sadd.s32 @!p0 $0x100000, s0;
	[bflag:$0x2] =	sbarrier.arrive $0xFFFF  }
0x13b: {  	[sflag:s0] =	ssyncadd.tile.s32 @!p0 $0x1;
	_ =	shalt  }
.Lfunc_end2:
_tile_overlayer_lowered:
.L_overlay_start_2:
0x13c: {  	(tag) =	ssettag $0x2  }
0x13d: {  	s0 =	rddreg [dreg:$0x0];
	s2 =	stileid.u32  }
0x13e: {  	s1 =	rddreg [dreg:$0x1];
	p0 =	sne.s32 s2, $0x0  }
0x13f: {  	s3 =	rddreg [dreg:$0x2];
	[bflag:$0x3] =	sbarrier.arrive $0xFFFF;
	s2 =	simm.s32 @!p0 $0x1C01  }
0x140: {  	[timem:s3], [sflag:s2] =	dma.local @!p0 [hbm:s0], s1  }
0x141: {  	s0 =	simm.s32 @!p0 $0x1  }
0x142: {  	_ =	swait.ge @!p0 [sflag:s0], s1  }
0x143: {  	s1 =	ssub.s32 @!p0 $0x0, s1;
	[sflag:s0] =	ssyncset.done @!p0 $0x0  }
0x144: {  	[sflag:s0] =	ssyncadd.s32 @!p0 s1  }
0x145: {  	[bflag:$0x3] =	sbarrier.arrive $0xFFFF  }
0x146: {  	_ =	shalt  }

</sc_bundles>
